<compile_context>
chip_gen: v7x
topology: tpu7x:2x2x1
jax: 0.10.2.dev20260603
libtpu: 0.0.44.dev20260713+nightly
codegen_flags: <defaults>
</compile_context>

<pallas_src>
import jax
import jax.numpy as jnp
from jax import lax
from jax.experimental import pallas as pl
from jax.experimental.pallas import tpu as pltpu
from jax.experimental.pallas import tpu_sc as plsc

NUM_ROWS = 1_000_000
DIM = 32
NC = 2
NS = 16
NW = NC * NS
VEC = 128
SB = 4
CHUNK = SB * VEC
NBUF = 7


def _body(idx_hbm, table_hbm, out_hbm, idx_v, rows_v, isem, gsem, wsem):
    n_chunks = idx_hbm.shape[0]
    per_w = n_chunks // NW
    wid = lax.axis_index("s") * NC + lax.axis_index("c")

    def start_idx(j):
        b = j % NBUF
        pltpu.async_copy(idx_hbm.at[wid * per_w + j], idx_v.at[b], isem.at[b])

    def fire(j):
        b = j % NBUF
        pltpu.make_async_copy(
            idx_hbm.at[0], idx_v.at[b], isem.at[b]
        ).wait()
        for r in range(SB):
            pltpu.async_copy(
                table_hbm.at[idx_v.at[b, r]],
                rows_v.at[b, pl.ds(r * VEC, VEC)],
                gsem.at[b],
            )

    def retire(j):
        b = j % NBUF
        pltpu.make_async_copy(
            out_hbm.at[pl.ds(0, CHUNK)], rows_v.at[b], gsem.at[b]
        ).wait()
        pltpu.async_copy(
            rows_v.at[b],
            out_hbm.at[pl.ds((wid * per_w + j) * CHUNK, CHUNK)],
            wsem.at[b],
        )

    def drain_write(b):
        pltpu.make_async_copy(
            rows_v.at[b], out_hbm.at[pl.ds(0, CHUNK)], wsem.at[b]
        ).wait()

    for j in range(NBUF):
        start_idx(j)
    for j in range(NBUF - 1):
        fire(j)

    def body(i, carry):
        b = i % NBUF

        @pl.when(i >= NBUF)
        def _():
            drain_write(b)

        fire(i)
        jr = i - (NBUF - 1)
        retire(jr)

        @pl.when(i + 1 < per_w)
        def _():
            start_idx(jr + NBUF)

        return carry

    lax.fori_loop(NBUF - 1, per_w, body, 0)

    for jr in range(per_w - NBUF + 1, per_w):
        retire(jr)
    for b in range(NBUF):
        drain_write(b)


def kernel(token_ids, weight):
    B, S = token_ids.shape
    n_rows = B * S
    assert n_rows % (CHUNK * NW) == 0
    n_chunks = n_rows // CHUNK
    idx = token_ids.reshape(n_chunks, SB, VEC)

    grab = pl.kernel(
        _body,
        out_type=jax.ShapeDtypeStruct((n_rows, DIM), jnp.float32),
        mesh=plsc.VectorSubcoreMesh(
            core_axis_name="c", subcore_axis_name="s",
            num_cores=NC, num_subcores=NS,
        ),
        scratch_types=[
            pltpu.VMEM((NBUF, SB, VEC), jnp.int32),
            pltpu.VMEM((NBUF, CHUNK, DIM), jnp.float32),
            pltpu.SemaphoreType.DMA((NBUF,)),
            pltpu.SemaphoreType.DMA((NBUF,)),
            pltpu.SemaphoreType.DMA((NBUF,)),
        ],
        compiler_params=pltpu.CompilerParams(use_tc_tiling_on_sc=False),
    )
    out = grab(idx, weight)
    return out.reshape(B, S, DIM)

# --- scband reference (transcript-rebuilt; emitter-appended) ---
"""Pipeline reference for scband-embedding-88596585382119 (READ-ONLY COPY).

The authoritative reference and input builder live on the scoring server;
editing this copy changes nothing except your own understanding.
"""

import jax, jax.numpy as jnp
import numpy as np

NUM_EMBEDDINGS = 1000000
EMBEDDING_DIM = 32


def setup_inputs(seed: int = 0) -> dict:
    key = jax.random.key(seed)
    k_idx, k_w = jax.random.split(key)
    token_ids = jax.random.randint(k_idx, (16384, 200), 0, NUM_EMBEDDINGS, dtype=jnp.int64 if jax.config.jax_enable_x64 else jnp.int32)
    # trunc_normal_(mean=0, std=1, a=-3, b=3) approximated by clipped standard normal
    weight = jnp.clip(jax.random.normal(k_w, (NUM_EMBEDDINGS, EMBEDDING_DIM), dtype=jnp.float32), -3.0, 3.0)
    return {"token_ids": token_ids, "weight": weight}


def reference(token_ids, weight):
    # self.weight[token_ids]
    return jnp.take(weight, token_ids, axis=0)

if __name__ == "__main__":
    import jax
    _d = setup_inputs()
    print(jax.jit(kernel)(*tuple(_d.values())))

</pallas_src>

<mosaic_0001>
#map = affine_map<(d0, d1) -> (0, 0, 0)>
#map1 = affine_map<(d0, d1) -> (0, 0)>
module attributes {stable_mosaic.version = 14 : i64} {
  func.func @_body(%arg0: i32, %arg1: i32, %arg2: memref<6400x4x128xi32, #tpu.memory_space<hbm>>, %arg3: memref<1000000x32xf32, #tpu.memory_space<hbm>>, %arg4: memref<3276800x32xf32, #tpu.memory_space<hbm>>, %arg5: memref<7x4x128xi32, #tpu.memory_space<vmem>>, %arg6: memref<7x512x32xf32, #tpu.memory_space<vmem>>, %arg7: memref<7x!tpu.dma_semaphore, #tpu.memory_space<semaphore_mem>>, %arg8: memref<7x!tpu.dma_semaphore, #tpu.memory_space<semaphore_mem>>, %arg9: memref<7x!tpu.dma_semaphore, #tpu.memory_space<semaphore_mem>>) attributes {dimension_semantics = [#tpu.dimension_semantics<core_parallel>, #tpu.dimension_semantics<subcore_parallel>], iteration_bounds = array<i64: 2, 16>, scalar_prefetch = 0 : i64, scratch_operands = 5 : i64, tpu.core_type = #tpu.core_type<sc_vector_subcore>, window_params = [{transform_indices = #map}, {transform_indices = #map1}, {transform_indices = #map1}]} {
    %mul3A = arith.constant 2 : i32
    %mul3A_0 = arith.muli %arg1, %mul3A : i32
    %add3A = arith.addi %mul3A_0, %arg0 : i32
    %mul3A_1 = arith.constant 200 : i32
    %mul3A_2 = arith.muli %add3A, %mul3A_1 : i32
    %add3A_3 = arith.constant 0 : i32
    %add3A_4 = arith.addi %mul3A_2, %add3A_3 : i32
    %dma_start3A = arith.constant 0 : i32
    %dma_start3A_5 = arith.constant 0 : i32
    %dma_start3A_6 = arith.constant 0 : i32
    %dma_start3A_7 = arith.constant 0 : i32
    %dma_start3A_8 = tpu.memref_slice %arg5[%dma_start3A, %dma_start3A_6, %dma_start3A_7] : memref<7x4x128xi32, #tpu.memory_space<vmem>> -> memref<1x4x128xi32, #tpu.memory_space<vmem>>
    %dma_start3A_9 = tpu.memref_squeeze %dma_start3A_8 : memref<1x4x128xi32, #tpu.memory_space<vmem>> -> memref<4x128xi32, #tpu.memory_space<vmem>>
    %dma_start3A_10 = arith.constant 0 : i32
    %dma_start3A_11 = arith.constant 0 : i32
    %dma_start3A_12 = tpu.memref_slice %arg2[%add3A_4, %dma_start3A_10, %dma_start3A_11] : memref<6400x4x128xi32, #tpu.memory_space<hbm>> -> memref<1x4x128xi32, #tpu.memory_space<hbm>>
    %dma_start3A_13 = tpu.memref_squeeze %dma_start3A_12 : memref<1x4x128xi32, #tpu.memory_space<hbm>> -> memref<4x128xi32, #tpu.memory_space<hbm>>
    %dma_start3A_14 = tpu.memref_slice %arg7[%dma_start3A_5] : memref<7x!tpu.dma_semaphore, #tpu.memory_space<semaphore_mem>> -> memref<1x!tpu.dma_semaphore, #tpu.memory_space<semaphore_mem>>
    %dma_start3A_15 = tpu.memref_squeeze %dma_start3A_14 : memref<1x!tpu.dma_semaphore, #tpu.memory_space<semaphore_mem>> -> memref<!tpu.dma_semaphore, #tpu.memory_space<semaphore_mem>>
    %dma_start3A_16 = arith.constant 0 : i32
    %dma_start3A_17 = arith.constant 0 : i32
    %dma_start3A_18 = tpu.memref_slice %arg5[%dma_start3A, %dma_start3A_16, %dma_start3A_17] : memref<7x4x128xi32, #tpu.memory_space<vmem>> -> memref<1x4x128xi32, #tpu.memory_space<vmem>>
    %dma_start3A_19 = tpu.memref_squeeze %dma_start3A_18 : memref<1x4x128xi32, #tpu.memory_space<vmem>> -> memref<4x128xi32, #tpu.memory_space<vmem>>
    %dma_start3A_20 = arith.constant 0 : i32
    %dma_start3A_21 = arith.constant 0 : i32
    %dma_start3A_22 = tpu.memref_slice %arg2[%add3A_4, %dma_start3A_20, %dma_start3A_21] : memref<6400x4x128xi32, #tpu.memory_space<hbm>> -> memref<1x4x128xi32, #tpu.memory_space<hbm>>
    %dma_start3A_23 = tpu.memref_squeeze %dma_start3A_22 : memref<1x4x128xi32, #tpu.memory_space<hbm>> -> memref<4x128xi32, #tpu.memory_space<hbm>>
    tpu.enqueue_dma source(%dma_start3A_23 : memref<4x128xi32, #tpu.memory_space<hbm>>) target(%dma_start3A_19 : memref<4x128xi32, #tpu.memory_space<vmem>>) target_semaphore(%dma_start3A_15 : memref<!tpu.dma_semaphore, #tpu.memory_space<semaphore_mem>>)
    %mul3A_24 = arith.constant 200 : i32
    %mul3A_25 = arith.muli %add3A, %mul3A_24 : i32
    %add3A_26 = arith.constant 1 : i32
    %add3A_27 = arith.addi %mul3A_25, %add3A_26 : i32
    %dma_start3A_28 = arith.constant 1 : i32
    %dma_start3A_29 = arith.constant 1 : i32
    %dma_start3A_30 = arith.constant 0 : i32
    %dma_start3A_31 = arith.constant 0 : i32
    %dma_start3A_32 = tpu.memref_slice %arg5[%dma_start3A_28, %dma_start3A_30, %dma_start3A_31] : memref<7x4x128xi32, #tpu.memory_space<vmem>> -> memref<1x4x128xi32, #tpu.memory_space<vmem>>
    %dma_start3A_33 = tpu.memref_squeeze %dma_start3A_32 : memref<1x4x128xi32, #tpu.memory_space<vmem>> -> memref<4x128xi32, #tpu.memory_space<vmem>>
    %dma_start3A_34 = arith.constant 0 : i32
    %dma_start3A_35 = arith.constant 0 : i32
    %dma_start3A_36 = tpu.memref_slice %arg2[%add3A_27, %dma_start3A_34, %dma_start3A_35] : memref<6400x4x128xi32, #tpu.memory_space<hbm>> -> memref<1x4x128xi32, #tpu.memory_space<hbm>>
    %dma_start3A_37 = tpu.memref_squeeze %dma_start3A_36 : memref<1x4x128xi32, #tpu.memory_space<hbm>> -> memref<4x128xi32, #tpu.memory_space<hbm>>
    %dma_start3A_38 = tpu.memref_slice %arg7[%dma_start3A_29] : memref<7x!tpu.dma_semaphore, #tpu.memory_space<semaphore_mem>> -> memref<1x!tpu.dma_semaphore, #tpu.memory_space<semaphore_mem>>
    %dma_start3A_39 = tpu.memref_squeeze %dma_start3A_38 : memref<1x!tpu.dma_semaphore, #tpu.memory_space<semaphore_mem>> -> memref<!tpu.dma_semaphore, #tpu.memory_space<semaphore_mem>>
    %dma_start3A_40 = arith.constant 0 : i32
    %dma_start3A_41 = arith.constant 0 : i32
    %dma_start3A_42 = tpu.memref_slice %arg5[%dma_start3A_28, %dma_start3A_40, %dma_start3A_41] : memref<7x4x128xi32, #tpu.memory_space<vmem>> -> memref<1x4x128xi32, #tpu.memory_space<vmem>>
    %dma_start3A_43 = tpu.memref_squeeze %dma_start3A_42 : memref<1x4x128xi32, #tpu.memory_space<vmem>> -> memref<4x128xi32, #tpu.memory_space<vmem>>
    %dma_start3A_44 = arith.constant 0 : i32
    %dma_start3A_45 = arith.constant 0 : i32
    %dma_start3A_46 = tpu.memref_slice %arg2[%add3A_27, %dma_start3A_44, %dma_start3A_45] : memref<6400x4x128xi32, #tpu.memory_space<hbm>> -> memref<1x4x128xi32, #tpu.memory_space<hbm>>
    %dma_start3A_47 = tpu.memref_squeeze %dma_start3A_46 : memref<1x4x128xi32, #tpu.memory_space<hbm>> -> memref<4x128xi32, #tpu.memory_space<hbm>>
    tpu.enqueue_dma source(%dma_start3A_47 : memref<4x128xi32, #tpu.memory_space<hbm>>) target(%dma_start3A_43 : memref<4x128xi32, #tpu.memory_space<vmem>>) target_semaphore(%dma_start3A_39 : memref<!tpu.dma_semaphore, #tpu.memory_space<semaphore_mem>>)
    %mul3A_48 = arith.constant 200 : i32
    %mul3A_49 = arith.muli %add3A, %mul3A_48 : i32
    %add3A_50 = arith.constant 2 : i32
    %add3A_51 = arith.addi %mul3A_49, %add3A_50 : i32
    %dma_start3A_52 = arith.constant 2 : i32
    %dma_start3A_53 = arith.constant 2 : i32
    %dma_start3A_54 = arith.constant 0 : i32
    %dma_start3A_55 = arith.constant 0 : i32
    %dma_start3A_56 = tpu.memref_slice %arg5[%dma_start3A_52, %dma_start3A_54, %dma_start3A_55] : memref<7x4x128xi32, #tpu.memory_space<vmem>> -> memref<1x4x128xi32, #tpu.memory_space<vmem>>
    %dma_start3A_57 = tpu.memref_squeeze %dma_start3A_56 : memref<1x4x128xi32, #tpu.memory_space<vmem>> -> memref<4x128xi32, #tpu.memory_space<vmem>>
    %dma_start3A_58 = arith.constant 0 : i32
    %dma_start3A_59 = arith.constant 0 : i32
    %dma_start3A_60 = tpu.memref_slice %arg2[%add3A_51, %dma_start3A_58, %dma_start3A_59] : memref<6400x4x128xi32, #tpu.memory_space<hbm>> -> memref<1x4x128xi32, #tpu.memory_space<hbm>>
    %dma_start3A_61 = tpu.memref_squeeze %dma_start3A_60 : memref<1x4x128xi32, #tpu.memory_space<hbm>> -> memref<4x128xi32, #tpu.memory_space<hbm>>
    %dma_start3A_62 = tpu.memref_slice %arg7[%dma_start3A_53] : memref<7x!tpu.dma_semaphore, #tpu.memory_space<semaphore_mem>> -> memref<1x!tpu.dma_semaphore, #tpu.memory_space<semaphore_mem>>
    %dma_start3A_63 = tpu.memref_squeeze %dma_start3A_62 : memref<1x!tpu.dma_semaphore, #tpu.memory_space<semaphore_mem>> -> memref<!tpu.dma_semaphore, #tpu.memory_space<semaphore_mem>>
    %dma_start3A_64 = arith.constant 0 : i32
    %dma_start3A_65 = arith.constant 0 : i32
    %dma_start3A_66 = tpu.memref_slice %arg5[%dma_start3A_52, %dma_start3A_64, %dma_start3A_65] : memref<7x4x128xi32, #tpu.memory_space<vmem>> -> memref<1x4x128xi32, #tpu.memory_space<vmem>>
    %dma_start3A_67 = tpu.memref_squeeze %dma_start3A_66 : memref<1x4x128xi32, #tpu.memory_space<vmem>> -> memref<4x128xi32, #tpu.memory_space<vmem>>
    %dma_start3A_68 = arith.constant 0 : i32
    %dma_start3A_69 = arith.constant 0 : i32
    %dma_start3A_70 = tpu.memref_slice %arg2[%add3A_51, %dma_start3A_68, %dma_start3A_69] : memref<6400x4x128xi32, #tpu.memory_space<hbm>> -> memref<1x4x128xi32, #tpu.memory_space<hbm>>
    %dma_start3A_71 = tpu.memref_squeeze %dma_start3A_70 : memref<1x4x128xi32, #tpu.memory_space<hbm>> -> memref<4x128xi32, #tpu.memory_space<hbm>>
    tpu.enqueue_dma source(%dma_start3A_71 : memref<4x128xi32, #tpu.memory_space<hbm>>) target(%dma_start3A_67 : memref<4x128xi32, #tpu.memory_space<vmem>>) target_semaphore(%dma_start3A_63 : memref<!tpu.dma_semaphore, #tpu.memory_space<semaphore_mem>>)
    %mul3A_72 = arith.constant 200 : i32
    %mul3A_73 = arith.muli %add3A, %mul3A_72 : i32
    %add3A_74 = arith.constant 3 : i32
    %add3A_75 = arith.addi %mul3A_73, %add3A_74 : i32
    %dma_start3A_76 = arith.constant 3 : i32
    %dma_start3A_77 = arith.constant 3 : i32
    %dma_start3A_78 = arith.constant 0 : i32
    %dma_start3A_79 = arith.constant 0 : i32
    %dma_start3A_80 = tpu.memref_slice %arg5[%dma_start3A_76, %dma_start3A_78, %dma_start3A_79] : memref<7x4x128xi32, #tpu.memory_space<vmem>> -> memref<1x4x128xi32, #tpu.memory_space<vmem>>
    %dma_start3A_81 = tpu.memref_squeeze %dma_start3A_80 : memref<1x4x128xi32, #tpu.memory_space<vmem>> -> memref<4x128xi32, #tpu.memory_space<vmem>>
    %dma_start3A_82 = arith.constant 0 : i32
    %dma_start3A_83 = arith.constant 0 : i32
    %dma_start3A_84 = tpu.memref_slice %arg2[%add3A_75, %dma_start3A_82, %dma_start3A_83] : memref<6400x4x128xi32, #tpu.memory_space<hbm>> -> memref<1x4x128xi32, #tpu.memory_space<hbm>>
    %dma_start3A_85 = tpu.memref_squeeze %dma_start3A_84 : memref<1x4x128xi32, #tpu.memory_space<hbm>> -> memref<4x128xi32, #tpu.memory_space<hbm>>
    %dma_start3A_86 = tpu.memref_slice %arg7[%dma_start3A_77] : memref<7x!tpu.dma_semaphore, #tpu.memory_space<semaphore_mem>> -> memref<1x!tpu.dma_semaphore, #tpu.memory_space<semaphore_mem>>
    %dma_start3A_87 = tpu.memref_squeeze %dma_start3A_86 : memref<1x!tpu.dma_semaphore, #tpu.memory_space<semaphore_mem>> -> memref<!tpu.dma_semaphore, #tpu.memory_space<semaphore_mem>>
    %dma_start3A_88 = arith.constant 0 : i32
    %dma_start3A_89 = arith.constant 0 : i32
    %dma_start3A_90 = tpu.memref_slice %arg5[%dma_start3A_76, %dma_start3A_88, %dma_start3A_89] : memref<7x4x128xi32, #tpu.memory_space<vmem>> -> memref<1x4x128xi32, #tpu.memory_space<vmem>>
    %dma_start3A_91 = tpu.memref_squeeze %dma_start3A_90 : memref<1x4x128xi32, #tpu.memory_space<vmem>> -> memref<4x128xi32, #tpu.memory_space<vmem>>
    %dma_start3A_92 = arith.constant 0 : i32
    %dma_start3A_93 = arith.constant 0 : i32
    %dma_start3A_94 = tpu.memref_slice %arg2[%add3A_75, %dma_start3A_92, %dma_start3A_93] : memref<6400x4x128xi32, #tpu.memory_space<hbm>> -> memref<1x4x128xi32, #tpu.memory_space<hbm>>
    %dma_start3A_95 = tpu.memref_squeeze %dma_start3A_94 : memref<1x4x128xi32, #tpu.memory_space<hbm>> -> memref<4x128xi32, #tpu.memory_space<hbm>>
    tpu.enqueue_dma source(%dma_start3A_95 : memref<4x128xi32, #tpu.memory_space<hbm>>) target(%dma_start3A_91 : memref<4x128xi32, #tpu.memory_space<vmem>>) target_semaphore(%dma_start3A_87 : memref<!tpu.dma_semaphore, #tpu.memory_space<semaphore_mem>>)
    %mul3A_96 = arith.constant 200 : i32
    %mul3A_97 = arith.muli %add3A, %mul3A_96 : i32
    %add3A_98 = arith.constant 4 : i32
    %add3A_99 = arith.addi %mul3A_97, %add3A_98 : i32
    %dma_start3A_100 = arith.constant 4 : i32
    %dma_start3A_101 = arith.constant 4 : i32
    %dma_start3A_102 = arith.constant 0 : i32
    %dma_start3A_103 = arith.constant 0 : i32
    %dma_start3A_104 = tpu.memref_slice %arg5[%dma_start3A_100, %dma_start3A_102, %dma_start3A_103] : memref<7x4x128xi32, #tpu.memory_space<vmem>> -> memref<1x4x128xi32, #tpu.memory_space<vmem>>
    %dma_start3A_105 = tpu.memref_squeeze %dma_start3A_104 : memref<1x4x128xi32, #tpu.memory_space<vmem>> -> memref<4x128xi32, #tpu.memory_space<vmem>>
    %dma_start3A_106 = arith.constant 0 : i32
    %dma_start3A_107 = arith.constant 0 : i32
    %dma_start3A_108 = tpu.memref_slice %arg2[%add3A_99, %dma_start3A_106, %dma_start3A_107] : memref<6400x4x128xi32, #tpu.memory_space<hbm>> -> memref<1x4x128xi32, #tpu.memory_space<hbm>>
    %dma_start3A_109 = tpu.memref_squeeze %dma_start3A_108 : memref<1x4x128xi32, #tpu.memory_space<hbm>> -> memref<4x128xi32, #tpu.memory_space<hbm>>
    %dma_start3A_110 = tpu.memref_slice %arg7[%dma_start3A_101] : memref<7x!tpu.dma_semaphore, #tpu.memory_space<semaphore_mem>> -> memref<1x!tpu.dma_semaphore, #tpu.memory_space<semaphore_mem>>
    %dma_start3A_111 = tpu.memref_squeeze %dma_start3A_110 : memref<1x!tpu.dma_semaphore, #tpu.memory_space<semaphore_mem>> -> memref<!tpu.dma_semaphore, #tpu.memory_space<semaphore_mem>>
    %dma_start3A_112 = arith.constant 0 : i32
    %dma_start3A_113 = arith.constant 0 : i32
    %dma_start3A_114 = tpu.memref_slice %arg5[%dma_start3A_100, %dma_start3A_112, %dma_start3A_113] : memref<7x4x128xi32, #tpu.memory_space<vmem>> -> memref<1x4x128xi32, #tpu.memory_space<vmem>>
    %dma_start3A_115 = tpu.memref_squeeze %dma_start3A_114 : memref<1x4x128xi32, #tpu.memory_space<vmem>> -> memref<4x128xi32, #tpu.memory_space<vmem>>
    %dma_start3A_116 = arith.constant 0 : i32
    %dma_start3A_117 = arith.constant 0 : i32
    %dma_start3A_118 = tpu.memref_slice %arg2[%add3A_99, %dma_start3A_116, %dma_start3A_117] : memref<6400x4x128xi32, #tpu.memory_space<hbm>> -> memref<1x4x128xi32, #tpu.memory_space<hbm>>
    %dma_start3A_119 = tpu.memref_squeeze %dma_start3A_118 : memref<1x4x128xi32, #tpu.memory_space<hbm>> -> memref<4x128xi32, #tpu.memory_space<hbm>>
    tpu.enqueue_dma source(%dma_start3A_119 : memref<4x128xi32, #tpu.memory_space<hbm>>) target(%dma_start3A_115 : memref<4x128xi32, #tpu.memory_space<vmem>>) target_semaphore(%dma_start3A_111 : memref<!tpu.dma_semaphore, #tpu.memory_space<semaphore_mem>>)
    %mul3A_120 = arith.constant 200 : i32
    %mul3A_121 = arith.muli %add3A, %mul3A_120 : i32
    %add3A_122 = arith.constant 5 : i32
    %add3A_123 = arith.addi %mul3A_121, %add3A_122 : i32
    %dma_start3A_124 = arith.constant 5 : i32
    %dma_start3A_125 = arith.constant 5 : i32
    %dma_start3A_126 = arith.constant 0 : i32
    %dma_start3A_127 = arith.constant 0 : i32
    %dma_start3A_128 = tpu.memref_slice %arg5[%dma_start3A_124, %dma_start3A_126, %dma_start3A_127] : memref<7x4x128xi32, #tpu.memory_space<vmem>> -> memref<1x4x128xi32, #tpu.memory_space<vmem>>
    %dma_start3A_129 = tpu.memref_squeeze %dma_start3A_128 : memref<1x4x128xi32, #tpu.memory_space<vmem>> -> memref<4x128xi32, #tpu.memory_space<vmem>>
    %dma_start3A_130 = arith.constant 0 : i32
    %dma_start3A_131 = arith.constant 0 : i32
    %dma_start3A_132 = tpu.memref_slice %arg2[%add3A_123, %dma_start3A_130, %dma_start3A_131] : memref<6400x4x128xi32, #tpu.memory_space<hbm>> -> memref<1x4x128xi32, #tpu.memory_space<hbm>>
    %dma_start3A_133 = tpu.memref_squeeze %dma_start3A_132 : memref<1x4x128xi32, #tpu.memory_space<hbm>> -> memref<4x128xi32, #tpu.memory_space<hbm>>
    %dma_start3A_134 = tpu.memref_slice %arg7[%dma_start3A_125] : memref<7x!tpu.dma_semaphore, #tpu.memory_space<semaphore_mem>> -> memref<1x!tpu.dma_semaphore, #tpu.memory_space<semaphore_mem>>
    %dma_start3A_135 = tpu.memref_squeeze %dma_start3A_134 : memref<1x!tpu.dma_semaphore, #tpu.memory_space<semaphore_mem>> -> memref<!tpu.dma_semaphore, #tpu.memory_space<semaphore_mem>>
    %dma_start3A_136 = arith.constant 0 : i32
    %dma_start3A_137 = arith.constant 0 : i32
    %dma_start3A_138 = tpu.memref_slice %arg5[%dma_start3A_124, %dma_start3A_136, %dma_start3A_137] : memref<7x4x128xi32, #tpu.memory_space<vmem>> -> memref<1x4x128xi32, #tpu.memory_space<vmem>>
    %dma_start3A_139 = tpu.memref_squeeze %dma_start3A_138 : memref<1x4x128xi32, #tpu.memory_space<vmem>> -> memref<4x128xi32, #tpu.memory_space<vmem>>
    %dma_start3A_140 = arith.constant 0 : i32
    %dma_start3A_141 = arith.constant 0 : i32
    %dma_start3A_142 = tpu.memref_slice %arg2[%add3A_123, %dma_start3A_140, %dma_start3A_141] : memref<6400x4x128xi32, #tpu.memory_space<hbm>> -> memref<1x4x128xi32, #tpu.memory_space<hbm>>
    %dma_start3A_143 = tpu.memref_squeeze %dma_start3A_142 : memref<1x4x128xi32, #tpu.memory_space<hbm>> -> memref<4x128xi32, #tpu.memory_space<hbm>>
    tpu.enqueue_dma source(%dma_start3A_143 : memref<4x128xi32, #tpu.memory_space<hbm>>) target(%dma_start3A_139 : memref<4x128xi32, #tpu.memory_space<vmem>>) target_semaphore(%dma_start3A_135 : memref<!tpu.dma_semaphore, #tpu.memory_space<semaphore_mem>>)
    %mul3A_144 = arith.constant 200 : i32
    %mul3A_145 = arith.muli %add3A, %mul3A_144 : i32
    %add3A_146 = arith.constant 6 : i32
    %add3A_147 = arith.addi %mul3A_145, %add3A_146 : i32
    %dma_start3A_148 = arith.constant 6 : i32
    %dma_start3A_149 = arith.constant 6 : i32
    %dma_start3A_150 = arith.constant 0 : i32
    %dma_start3A_151 = arith.constant 0 : i32
    %dma_start3A_152 = tpu.memref_slice %arg5[%dma_start3A_148, %dma_start3A_150, %dma_start3A_151] : memref<7x4x128xi32, #tpu.memory_space<vmem>> -> memref<1x4x128xi32, #tpu.memory_space<vmem>>
    %dma_start3A_153 = tpu.memref_squeeze %dma_start3A_152 : memref<1x4x128xi32, #tpu.memory_space<vmem>> -> memref<4x128xi32, #tpu.memory_space<vmem>>
    %dma_start3A_154 = arith.constant 0 : i32
    %dma_start3A_155 = arith.constant 0 : i32
    %dma_start3A_156 = tpu.memref_slice %arg2[%add3A_147, %dma_start3A_154, %dma_start3A_155] : memref<6400x4x128xi32, #tpu.memory_space<hbm>> -> memref<1x4x128xi32, #tpu.memory_space<hbm>>
    %dma_start3A_157 = tpu.memref_squeeze %dma_start3A_156 : memref<1x4x128xi32, #tpu.memory_space<hbm>> -> memref<4x128xi32, #tpu.memory_space<hbm>>
    %dma_start3A_158 = tpu.memref_slice %arg7[%dma_start3A_149] : memref<7x!tpu.dma_semaphore, #tpu.memory_space<semaphore_mem>> -> memref<1x!tpu.dma_semaphore, #tpu.memory_space<semaphore_mem>>
    %dma_start3A_159 = tpu.memref_squeeze %dma_start3A_158 : memref<1x!tpu.dma_semaphore, #tpu.memory_space<semaphore_mem>> -> memref<!tpu.dma_semaphore, #tpu.memory_space<semaphore_mem>>
    %dma_start3A_160 = arith.constant 0 : i32
    %dma_start3A_161 = arith.constant 0 : i32
    %dma_start3A_162 = tpu.memref_slice %arg5[%dma_start3A_148, %dma_start3A_160, %dma_start3A_161] : memref<7x4x128xi32, #tpu.memory_space<vmem>> -> memref<1x4x128xi32, #tpu.memory_space<vmem>>
    %dma_start3A_163 = tpu.memref_squeeze %dma_start3A_162 : memref<1x4x128xi32, #tpu.memory_space<vmem>> -> memref<4x128xi32, #tpu.memory_space<vmem>>
    %dma_start3A_164 = arith.constant 0 : i32
    %dma_start3A_165 = arith.constant 0 : i32
    %dma_start3A_166 = tpu.memref_slice %arg2[%add3A_147, %dma_start3A_164, %dma_start3A_165] : memref<6400x4x128xi32, #tpu.memory_space<hbm>> -> memref<1x4x128xi32, #tpu.memory_space<hbm>>
    %dma_start3A_167 = tpu.memref_squeeze %dma_start3A_166 : memref<1x4x128xi32, #tpu.memory_space<hbm>> -> memref<4x128xi32, #tpu.memory_space<hbm>>
    tpu.enqueue_dma source(%dma_start3A_167 : memref<4x128xi32, #tpu.memory_space<hbm>>) target(%dma_start3A_163 : memref<4x128xi32, #tpu.memory_space<vmem>>) target_semaphore(%dma_start3A_159 : memref<!tpu.dma_semaphore, #tpu.memory_space<semaphore_mem>>)
    %dma_wait3A = arith.constant 0 : i32
    %dma_wait3A_168 = arith.constant 0 : i32
    %dma_wait3A_169 = arith.constant 0 : i32
    %dma_wait3A_170 = arith.constant 0 : i32
    %dma_wait3A_171 = arith.constant 0 : i32
    %dma_wait3A_172 = tpu.memref_slice %arg5[%dma_wait3A_168, %dma_wait3A_170, %dma_wait3A_171] : memref<7x4x128xi32, #tpu.memory_space<vmem>> -> memref<1x4x128xi32, #tpu.memory_space<vmem>>
    %dma_wait3A_173 = tpu.memref_squeeze %dma_wait3A_172 : memref<1x4x128xi32, #tpu.memory_space<vmem>> -> memref<4x128xi32, #tpu.memory_space<vmem>>
    %dma_wait3A_174 = arith.constant 0 : i32
    %dma_wait3A_175 = arith.constant 0 : i32
    %dma_wait3A_176 = tpu.memref_slice %arg2[%dma_wait3A, %dma_wait3A_174, %dma_wait3A_175] : memref<6400x4x128xi32, #tpu.memory_space<hbm>> -> memref<1x4x128xi32, #tpu.memory_space<hbm>>
    %dma_wait3A_177 = tpu.memref_squeeze %dma_wait3A_176 : memref<1x4x128xi32, #tpu.memory_space<hbm>> -> memref<4x128xi32, #tpu.memory_space<hbm>>
    %dma_wait3A_178 = tpu.memref_slice %arg7[%dma_wait3A_169] : memref<7x!tpu.dma_semaphore, #tpu.memory_space<semaphore_mem>> -> memref<1x!tpu.dma_semaphore, #tpu.memory_space<semaphore_mem>>
    %dma_wait3A_179 = tpu.memref_squeeze %dma_wait3A_178 : memref<1x!tpu.dma_semaphore, #tpu.memory_space<semaphore_mem>> -> memref<!tpu.dma_semaphore, #tpu.memory_space<semaphore_mem>>
    %dma_wait3A_180 = arith.constant 0 : i32
    %dma_wait3A_181 = arith.constant 0 : i32
    %dma_wait3A_182 = tpu.memref_slice %arg5[%dma_wait3A_168, %dma_wait3A_180, %dma_wait3A_181] : memref<7x4x128xi32, #tpu.memory_space<vmem>> -> memref<1x4x128xi32, #tpu.memory_space<vmem>>
    %dma_wait3A_183 = tpu.memref_squeeze %dma_wait3A_182 : memref<1x4x128xi32, #tpu.memory_space<vmem>> -> memref<4x128xi32, #tpu.memory_space<vmem>>
    %dma_wait3A_184 = arith.constant 0 : i32
    %dma_wait3A_185 = arith.constant 0 : i32
    %dma_wait3A_186 = tpu.memref_slice %arg2[%dma_wait3A, %dma_wait3A_184, %dma_wait3A_185] : memref<6400x4x128xi32, #tpu.memory_space<hbm>> -> memref<1x4x128xi32, #tpu.memory_space<hbm>>
    %dma_wait3A_187 = tpu.memref_squeeze %dma_wait3A_186 : memref<1x4x128xi32, #tpu.memory_space<hbm>> -> memref<4x128xi32, #tpu.memory_space<hbm>>
    tpu.wait_dma2 semaphore(%dma_wait3A_179 : memref<!tpu.dma_semaphore, #tpu.memory_space<semaphore_mem>>) src(%dma_wait3A_187 : memref<4x128xi32, #tpu.memory_space<hbm>>) dst(%dma_wait3A_183 : memref<4x128xi32, #tpu.memory_space<vmem>>)
    %dma_start3A_188 = arith.constant 0 : i32
    %dma_start3A_189 = arith.constant 0 : i32
    %dma_start3A_190 = arith.constant 0 : i32
    %dma_start3A_191 = arith.constant 0 : i32
    %dma_start3A_192 = arith.constant 0 : i32
    %dma_start3A_193 = arith.constant 0 : i32
    %dma_start3A_194 = tpu.memref_slice %arg6[%dma_start3A_190, %dma_start3A_192, %dma_start3A_193] : memref<7x512x32xf32, #tpu.memory_space<vmem>> -> memref<1x128x32xf32, #tpu.memory_space<vmem>>
    %dma_start3A_195 = tpu.memref_squeeze %dma_start3A_194 : memref<1x128x32xf32, #tpu.memory_space<vmem>> -> memref<128x32xf32, #tpu.memory_space<vmem>>
    %dma_start3A_196 = arith.constant 0 : i32
    %dma_start3A_197 = tpu.memref_slice %arg5[%dma_start3A_188, %dma_start3A_189, %dma_start3A_196] : memref<7x4x128xi32, #tpu.memory_space<vmem>> -> memref<1x1x128xi32, #tpu.memory_space<vmem>>
    %dma_start3A_198 = tpu.memref_squeeze %dma_start3A_197 : memref<1x1x128xi32, #tpu.memory_space<vmem>> -> memref<128xi32, #tpu.memory_space<vmem>>
    %dma_start3A_199 = arith.constant 0 : i32
    %dma_start3A_200 = arith.constant 0 : i32
    %dma_start3A_201 = tpu.memref_slice %arg3[%dma_start3A_199, %dma_start3A_200] : memref<1000000x32xf32, #tpu.memory_space<hbm>> -> memref<1000000x32xf32, #tpu.memory_space<hbm>>
    %dma_start3A_202 = tpu.memref_slice %arg8[%dma_start3A_191] : memref<7x!tpu.dma_semaphore, #tpu.memory_space<semaphore_mem>> -> memref<1x!tpu.dma_semaphore, #tpu.memory_space<semaphore_mem>>
    %dma_start3A_203 = tpu.memref_squeeze %dma_start3A_202 : memref<1x!tpu.dma_semaphore, #tpu.memory_space<semaphore_mem>> -> memref<!tpu.dma_semaphore, #tpu.memory_space<semaphore_mem>>
    tpu.enqueue_indirect_dma source(%dma_start3A_201 : memref<1000000x32xf32, #tpu.memory_space<hbm>>) target(%dma_start3A_195 : memref<128x32xf32, #tpu.memory_space<vmem>>) offsets(%dma_start3A_198 : memref<128xi32, #tpu.memory_space<vmem>>) semaphore(%dma_start3A_203 : memref<!tpu.dma_semaphore, #tpu.memory_space<semaphore_mem>>)
    %dma_start3A_204 = arith.constant 0 : i32
    %dma_start3A_205 = arith.constant 1 : i32
    %dma_start3A_206 = arith.constant 0 : i32
    %dma_start3A_207 = arith.constant 0 : i32
    %dma_start3A_208 = arith.constant 128 : i32
    %dma_start3A_209 = arith.constant 0 : i32
    %dma_start3A_210 = tpu.memref_slice %arg6[%dma_start3A_206, %dma_start3A_208, %dma_start3A_209] : memref<7x512x32xf32, #tpu.memory_space<vmem>> -> memref<1x128x32xf32, #tpu.memory_space<vmem>>
    %dma_start3A_211 = tpu.memref_squeeze %dma_start3A_210 : memref<1x128x32xf32, #tpu.memory_space<vmem>> -> memref<128x32xf32, #tpu.memory_space<vmem>>
    %dma_start3A_212 = arith.constant 0 : i32
    %dma_start3A_213 = tpu.memref_slice %arg5[%dma_start3A_204, %dma_start3A_205, %dma_start3A_212] : memref<7x4x128xi32, #tpu.memory_space<vmem>> -> memref<1x1x128xi32, #tpu.memory_space<vmem>>
    %dma_start3A_214 = tpu.memref_squeeze %dma_start3A_213 : memref<1x1x128xi32, #tpu.memory_space<vmem>> -> memref<128xi32, #tpu.memory_space<vmem>>
    %dma_start3A_215 = arith.constant 0 : i32
    %dma_start3A_216 = arith.constant 0 : i32
    %dma_start3A_217 = tpu.memref_slice %arg3[%dma_start3A_215, %dma_start3A_216] : memref<1000000x32xf32, #tpu.memory_space<hbm>> -> memref<1000000x32xf32, #tpu.memory_space<hbm>>
    %dma_start3A_218 = tpu.memref_slice %arg8[%dma_start3A_207] : memref<7x!tpu.dma_semaphore, #tpu.memory_space<semaphore_mem>> -> memref<1x!tpu.dma_semaphore, #tpu.memory_space<semaphore_mem>>
    %dma_start3A_219 = tpu.memref_squeeze %dma_start3A_218 : memref<1x!tpu.dma_semaphore, #tpu.memory_space<semaphore_mem>> -> memref<!tpu.dma_semaphore, #tpu.memory_space<semaphore_mem>>
    tpu.enqueue_indirect_dma source(%dma_start3A_217 : memref<1000000x32xf32, #tpu.memory_space<hbm>>) target(%dma_start3A_211 : memref<128x32xf32, #tpu.memory_space<vmem>>) offsets(%dma_start3A_214 : memref<128xi32, #tpu.memory_space<vmem>>) semaphore(%dma_start3A_219 : memref<!tpu.dma_semaphore, #tpu.memory_space<semaphore_mem>>)
    %dma_start3A_220 = arith.constant 0 : i32
    %dma_start3A_221 = arith.constant 2 : i32
    %dma_start3A_222 = arith.constant 0 : i32
    %dma_start3A_223 = arith.constant 0 : i32
    %dma_start3A_224 = arith.constant 256 : i32
    %dma_start3A_225 = arith.constant 0 : i32
    %dma_start3A_226 = tpu.memref_slice %arg6[%dma_start3A_222, %dma_start3A_224, %dma_start3A_225] : memref<7x512x32xf32, #tpu.memory_space<vmem>> -> memref<1x128x32xf32, #tpu.memory_space<vmem>>
    %dma_start3A_227 = tpu.memref_squeeze %dma_start3A_226 : memref<1x128x32xf32, #tpu.memory_space<vmem>> -> memref<128x32xf32, #tpu.memory_space<vmem>>
    %dma_start3A_228 = arith.constant 0 : i32
    %dma_start3A_229 = tpu.memref_slice %arg5[%dma_start3A_220, %dma_start3A_221, %dma_start3A_228] : memref<7x4x128xi32, #tpu.memory_space<vmem>> -> memref<1x1x128xi32, #tpu.memory_space<vmem>>
    %dma_start3A_230 = tpu.memref_squeeze %dma_start3A_229 : memref<1x1x128xi32, #tpu.memory_space<vmem>> -> memref<128xi32, #tpu.memory_space<vmem>>
    %dma_start3A_231 = arith.constant 0 : i32
    %dma_start3A_232 = arith.constant 0 : i32
    %dma_start3A_233 = tpu.memref_slice %arg3[%dma_start3A_231, %dma_start3A_232] : memref<1000000x32xf32, #tpu.memory_space<hbm>> -> memref<1000000x32xf32, #tpu.memory_space<hbm>>
    %dma_start3A_234 = tpu.memref_slice %arg8[%dma_start3A_223] : memref<7x!tpu.dma_semaphore, #tpu.memory_space<semaphore_mem>> -> memref<1x!tpu.dma_semaphore, #tpu.memory_space<semaphore_mem>>
    %dma_start3A_235 = tpu.memref_squeeze %dma_start3A_234 : memref<1x!tpu.dma_semaphore, #tpu.memory_space<semaphore_mem>> -> memref<!tpu.dma_semaphore, #tpu.memory_space<semaphore_mem>>
    tpu.enqueue_indirect_dma source(%dma_start3A_233 : memref<1000000x32xf32, #tpu.memory_space<hbm>>) target(%dma_start3A_227 : memref<128x32xf32, #tpu.memory_space<vmem>>) offsets(%dma_start3A_230 : memref<128xi32, #tpu.memory_space<vmem>>) semaphore(%dma_start3A_235 : memref<!tpu.dma_semaphore, #tpu.memory_space<semaphore_mem>>)
    %dma_start3A_236 = arith.constant 0 : i32
    %dma_start3A_237 = arith.constant 3 : i32
    %dma_start3A_238 = arith.constant 0 : i32
    %dma_start3A_239 = arith.constant 0 : i32
    %dma_start3A_240 = arith.constant 384 : i32
    %dma_start3A_241 = arith.constant 0 : i32
    %dma_start3A_242 = tpu.memref_slice %arg6[%dma_start3A_238, %dma_start3A_240, %dma_start3A_241] : memref<7x512x32xf32, #tpu.memory_space<vmem>> -> memref<1x128x32xf32, #tpu.memory_space<vmem>>
    %dma_start3A_243 = tpu.memref_squeeze %dma_start3A_242 : memref<1x128x32xf32, #tpu.memory_space<vmem>> -> memref<128x32xf32, #tpu.memory_space<vmem>>
    %dma_start3A_244 = arith.constant 0 : i32
    %dma_start3A_245 = tpu.memref_slice %arg5[%dma_start3A_236, %dma_start3A_237, %dma_start3A_244] : memref<7x4x128xi32, #tpu.memory_space<vmem>> -> memref<1x1x128xi32, #tpu.memory_space<vmem>>
    %dma_start3A_246 = tpu.memref_squeeze %dma_start3A_245 : memref<1x1x128xi32, #tpu.memory_space<vmem>> -> memref<128xi32, #tpu.memory_space<vmem>>
    %dma_start3A_247 = arith.constant 0 : i32
    %dma_start3A_248 = arith.constant 0 : i32
    %dma_start3A_249 = tpu.memref_slice %arg3[%dma_start3A_247, %dma_start3A_248] : memref<1000000x32xf32, #tpu.memory_space<hbm>> -> memref<1000000x32xf32, #tpu.memory_space<hbm>>
    %dma_start3A_250 = tpu.memref_slice %arg8[%dma_start3A_239] : memref<7x!tpu.dma_semaphore, #tpu.memory_space<semaphore_mem>> -> memref<1x!tpu.dma_semaphore, #tpu.memory_space<semaphore_mem>>
    %dma_start3A_251 = tpu.memref_squeeze %dma_start3A_250 : memref<1x!tpu.dma_semaphore, #tpu.memory_space<semaphore_mem>> -> memref<!tpu.dma_semaphore, #tpu.memory_space<semaphore_mem>>
    tpu.enqueue_indirect_dma source(%dma_start3A_249 : memref<1000000x32xf32, #tpu.memory_space<hbm>>) target(%dma_start3A_243 : memref<128x32xf32, #tpu.memory_space<vmem>>) offsets(%dma_start3A_246 : memref<128xi32, #tpu.memory_space<vmem>>) semaphore(%dma_start3A_251 : memref<!tpu.dma_semaphore, #tpu.memory_space<semaphore_mem>>)
    %dma_wait3A_252 = arith.constant 0 : i32
    %dma_wait3A_253 = arith.constant 1 : i32
    %dma_wait3A_254 = arith.constant 1 : i32
    %dma_wait3A_255 = arith.constant 0 : i32
    %dma_wait3A_256 = arith.constant 0 : i32
    %dma_wait3A_257 = tpu.memref_slice %arg5[%dma_wait3A_253, %dma_wait3A_255, %dma_wait3A_256] : memref<7x4x128xi32, #tpu.memory_space<vmem>> -> memref<1x4x128xi32, #tpu.memory_space<vmem>>
    %dma_wait3A_258 = tpu.memref_squeeze %dma_wait3A_257 : memref<1x4x128xi32, #tpu.memory_space<vmem>> -> memref<4x128xi32, #tpu.memory_space<vmem>>
    %dma_wait3A_259 = arith.constant 0 : i32
    %dma_wait3A_260 = arith.constant 0 : i32
    %dma_wait3A_261 = tpu.memref_slice %arg2[%dma_wait3A_252, %dma_wait3A_259, %dma_wait3A_260] : memref<6400x4x128xi32, #tpu.memory_space<hbm>> -> memref<1x4x128xi32, #tpu.memory_space<hbm>>
    %dma_wait3A_262 = tpu.memref_squeeze %dma_wait3A_261 : memref<1x4x128xi32, #tpu.memory_space<hbm>> -> memref<4x128xi32, #tpu.memory_space<hbm>>
    %dma_wait3A_263 = tpu.memref_slice %arg7[%dma_wait3A_254] : memref<7x!tpu.dma_semaphore, #tpu.memory_space<semaphore_mem>> -> memref<1x!tpu.dma_semaphore, #tpu.memory_space<semaphore_mem>>
    %dma_wait3A_264 = tpu.memref_squeeze %dma_wait3A_263 : memref<1x!tpu.dma_semaphore, #tpu.memory_space<semaphore_mem>> -> memref<!tpu.dma_semaphore, #tpu.memory_space<semaphore_mem>>
    %dma_wait3A_265 = arith.constant 0 : i32
    %dma_wait3A_266 = arith.constant 0 : i32
    %dma_wait3A_267 = tpu.memref_slice %arg5[%dma_wait3A_253, %dma_wait3A_265, %dma_wait3A_266] : memref<7x4x128xi32, #tpu.memory_space<vmem>> -> memref<1x4x128xi32, #tpu.memory_space<vmem>>
    %dma_wait3A_268 = tpu.memref_squeeze %dma_wait3A_267 : memref<1x4x128xi32, #tpu.memory_space<vmem>> -> memref<4x128xi32, #tpu.memory_space<vmem>>
    %dma_wait3A_269 = arith.constant 0 : i32
    %dma_wait3A_270 = arith.constant 0 : i32
    %dma_wait3A_271 = tpu.memref_slice %arg2[%dma_wait3A_252, %dma_wait3A_269, %dma_wait3A_270] : memref<6400x4x128xi32, #tpu.memory_space<hbm>> -> memref<1x4x128xi32, #tpu.memory_space<hbm>>
    %dma_wait3A_272 = tpu.memref_squeeze %dma_wait3A_271 : memref<1x4x128xi32, #tpu.memory_space<hbm>> -> memref<4x128xi32, #tpu.memory_space<hbm>>
    tpu.wait_dma2 semaphore(%dma_wait3A_264 : memref<!tpu.dma_semaphore, #tpu.memory_space<semaphore_mem>>) src(%dma_wait3A_272 : memref<4x128xi32, #tpu.memory_space<hbm>>) dst(%dma_wait3A_268 : memref<4x128xi32, #tpu.memory_space<vmem>>)
    %dma_start3A_273 = arith.constant 1 : i32
    %dma_start3A_274 = arith.constant 0 : i32
    %dma_start3A_275 = arith.constant 1 : i32
    %dma_start3A_276 = arith.constant 1 : i32
    %dma_start3A_277 = arith.constant 0 : i32
    %dma_start3A_278 = arith.constant 0 : i32
    %dma_start3A_279 = tpu.memref_slice %arg6[%dma_start3A_275, %dma_start3A_277, %dma_start3A_278] : memref<7x512x32xf32, #tpu.memory_space<vmem>> -> memref<1x128x32xf32, #tpu.memory_space<vmem>>
    %dma_start3A_280 = tpu.memref_squeeze %dma_start3A_279 : memref<1x128x32xf32, #tpu.memory_space<vmem>> -> memref<128x32xf32, #tpu.memory_space<vmem>>
    %dma_start3A_281 = arith.constant 0 : i32
    %dma_start3A_282 = tpu.memref_slice %arg5[%dma_start3A_273, %dma_start3A_274, %dma_start3A_281] : memref<7x4x128xi32, #tpu.memory_space<vmem>> -> memref<1x1x128xi32, #tpu.memory_space<vmem>>
    %dma_start3A_283 = tpu.memref_squeeze %dma_start3A_282 : memref<1x1x128xi32, #tpu.memory_space<vmem>> -> memref<128xi32, #tpu.memory_space<vmem>>
    %dma_start3A_284 = arith.constant 0 : i32
    %dma_start3A_285 = arith.constant 0 : i32
    %dma_start3A_286 = tpu.memref_slice %arg3[%dma_start3A_284, %dma_start3A_285] : memref<1000000x32xf32, #tpu.memory_space<hbm>> -> memref<1000000x32xf32, #tpu.memory_space<hbm>>
    %dma_start3A_287 = tpu.memref_slice %arg8[%dma_start3A_276] : memref<7x!tpu.dma_semaphore, #tpu.memory_space<semaphore_mem>> -> memref<1x!tpu.dma_semaphore, #tpu.memory_space<semaphore_mem>>
    %dma_start3A_288 = tpu.memref_squeeze %dma_start3A_287 : memref<1x!tpu.dma_semaphore, #tpu.memory_space<semaphore_mem>> -> memref<!tpu.dma_semaphore, #tpu.memory_space<semaphore_mem>>
    tpu.enqueue_indirect_dma source(%dma_start3A_286 : memref<1000000x32xf32, #tpu.memory_space<hbm>>) target(%dma_start3A_280 : memref<128x32xf32, #tpu.memory_space<vmem>>) offsets(%dma_start3A_283 : memref<128xi32, #tpu.memory_space<vmem>>) semaphore(%dma_start3A_288 : memref<!tpu.dma_semaphore, #tpu.memory_space<semaphore_mem>>)
    %dma_start3A_289 = arith.constant 1 : i32
    %dma_start3A_290 = arith.constant 1 : i32
    %dma_start3A_291 = arith.constant 1 : i32
    %dma_start3A_292 = arith.constant 1 : i32
    %dma_start3A_293 = arith.constant 128 : i32
    %dma_start3A_294 = arith.constant 0 : i32
    %dma_start3A_295 = tpu.memref_slice %arg6[%dma_start3A_291, %dma_start3A_293, %dma_start3A_294] : memref<7x512x32xf32, #tpu.memory_space<vmem>> -> memref<1x128x32xf32, #tpu.memory_space<vmem>>
    %dma_start3A_296 = tpu.memref_squeeze %dma_start3A_295 : memref<1x128x32xf32, #tpu.memory_space<vmem>> -> memref<128x32xf32, #tpu.memory_space<vmem>>
    %dma_start3A_297 = arith.constant 0 : i32
    %dma_start3A_298 = tpu.memref_slice %arg5[%dma_start3A_289, %dma_start3A_290, %dma_start3A_297] : memref<7x4x128xi32, #tpu.memory_space<vmem>> -> memref<1x1x128xi32, #tpu.memory_space<vmem>>
    %dma_start3A_299 = tpu.memref_squeeze %dma_start3A_298 : memref<1x1x128xi32, #tpu.memory_space<vmem>> -> memref<128xi32, #tpu.memory_space<vmem>>
    %dma_start3A_300 = arith.constant 0 : i32
    %dma_start3A_301 = arith.constant 0 : i32
    %dma_start3A_302 = tpu.memref_slice %arg3[%dma_start3A_300, %dma_start3A_301] : memref<1000000x32xf32, #tpu.memory_space<hbm>> -> memref<1000000x32xf32, #tpu.memory_space<hbm>>
    %dma_start3A_303 = tpu.memref_slice %arg8[%dma_start3A_292] : memref<7x!tpu.dma_semaphore, #tpu.memory_space<semaphore_mem>> -> memref<1x!tpu.dma_semaphore, #tpu.memory_space<semaphore_mem>>
    %dma_start3A_304 = tpu.memref_squeeze %dma_start3A_303 : memref<1x!tpu.dma_semaphore, #tpu.memory_space<semaphore_mem>> -> memref<!tpu.dma_semaphore, #tpu.memory_space<semaphore_mem>>
    tpu.enqueue_indirect_dma source(%dma_start3A_302 : memref<1000000x32xf32, #tpu.memory_space<hbm>>) target(%dma_start3A_296 : memref<128x32xf32, #tpu.memory_space<vmem>>) offsets(%dma_start3A_299 : memref<128xi32, #tpu.memory_space<vmem>>) semaphore(%dma_start3A_304 : memref<!tpu.dma_semaphore, #tpu.memory_space<semaphore_mem>>)
    %dma_start3A_305 = arith.constant 1 : i32
    %dma_start3A_306 = arith.constant 2 : i32
    %dma_start3A_307 = arith.constant 1 : i32
    %dma_start3A_308 = arith.constant 1 : i32
    %dma_start3A_309 = arith.constant 256 : i32
    %dma_start3A_310 = arith.constant 0 : i32
    %dma_start3A_311 = tpu.memref_slice %arg6[%dma_start3A_307, %dma_start3A_309, %dma_start3A_310] : memref<7x512x32xf32, #tpu.memory_space<vmem>> -> memref<1x128x32xf32, #tpu.memory_space<vmem>>
    %dma_start3A_312 = tpu.memref_squeeze %dma_start3A_311 : memref<1x128x32xf32, #tpu.memory_space<vmem>> -> memref<128x32xf32, #tpu.memory_space<vmem>>
    %dma_start3A_313 = arith.constant 0 : i32
    %dma_start3A_314 = tpu.memref_slice %arg5[%dma_start3A_305, %dma_start3A_306, %dma_start3A_313] : memref<7x4x128xi32, #tpu.memory_space<vmem>> -> memref<1x1x128xi32, #tpu.memory_space<vmem>>
    %dma_start3A_315 = tpu.memref_squeeze %dma_start3A_314 : memref<1x1x128xi32, #tpu.memory_space<vmem>> -> memref<128xi32, #tpu.memory_space<vmem>>
    %dma_start3A_316 = arith.constant 0 : i32
    %dma_start3A_317 = arith.constant 0 : i32
    %dma_start3A_318 = tpu.memref_slice %arg3[%dma_start3A_316, %dma_start3A_317] : memref<1000000x32xf32, #tpu.memory_space<hbm>> -> memref<1000000x32xf32, #tpu.memory_space<hbm>>
    %dma_start3A_319 = tpu.memref_slice %arg8[%dma_start3A_308] : memref<7x!tpu.dma_semaphore, #tpu.memory_space<semaphore_mem>> -> memref<1x!tpu.dma_semaphore, #tpu.memory_space<semaphore_mem>>
    %dma_start3A_320 = tpu.memref_squeeze %dma_start3A_319 : memref<1x!tpu.dma_semaphore, #tpu.memory_space<semaphore_mem>> -> memref<!tpu.dma_semaphore, #tpu.memory_space<semaphore_mem>>
    tpu.enqueue_indirect_dma source(%dma_start3A_318 : memref<1000000x32xf32, #tpu.memory_space<hbm>>) target(%dma_start3A_312 : memref<128x32xf32, #tpu.memory_space<vmem>>) offsets(%dma_start3A_315 : memref<128xi32, #tpu.memory_space<vmem>>) semaphore(%dma_start3A_320 : memref<!tpu.dma_semaphore, #tpu.memory_space<semaphore_mem>>)
    %dma_start3A_321 = arith.constant 1 : i32
    %dma_start3A_322 = arith.constant 3 : i32
    %dma_start3A_323 = arith.constant 1 : i32
    %dma_start3A_324 = arith.constant 1 : i32
    %dma_start3A_325 = arith.constant 384 : i32
    %dma_start3A_326 = arith.constant 0 : i32
    %dma_start3A_327 = tpu.memref_slice %arg6[%dma_start3A_323, %dma_start3A_325, %dma_start3A_326] : memref<7x512x32xf32, #tpu.memory_space<vmem>> -> memref<1x128x32xf32, #tpu.memory_space<vmem>>
    %dma_start3A_328 = tpu.memref_squeeze %dma_start3A_327 : memref<1x128x32xf32, #tpu.memory_space<vmem>> -> memref<128x32xf32, #tpu.memory_space<vmem>>
    %dma_start3A_329 = arith.constant 0 : i32
    %dma_start3A_330 = tpu.memref_slice %arg5[%dma_start3A_321, %dma_start3A_322, %dma_start3A_329] : memref<7x4x128xi32, #tpu.memory_space<vmem>> -> memref<1x1x128xi32, #tpu.memory_space<vmem>>
    %dma_start3A_331 = tpu.memref_squeeze %dma_start3A_330 : memref<1x1x128xi32, #tpu.memory_space<vmem>> -> memref<128xi32, #tpu.memory_space<vmem>>
    %dma_start3A_332 = arith.constant 0 : i32
    %dma_start3A_333 = arith.constant 0 : i32
    %dma_start3A_334 = tpu.memref_slice %arg3[%dma_start3A_332, %dma_start3A_333] : memref<1000000x32xf32, #tpu.memory_space<hbm>> -> memref<1000000x32xf32, #tpu.memory_space<hbm>>
    %dma_start3A_335 = tpu.memref_slice %arg8[%dma_start3A_324] : memref<7x!tpu.dma_semaphore, #tpu.memory_space<semaphore_mem>> -> memref<1x!tpu.dma_semaphore, #tpu.memory_space<semaphore_mem>>
    %dma_start3A_336 = tpu.memref_squeeze %dma_start3A_335 : memref<1x!tpu.dma_semaphore, #tpu.memory_space<semaphore_mem>> -> memref<!tpu.dma_semaphore, #tpu.memory_space<semaphore_mem>>
    tpu.enqueue_indirect_dma source(%dma_start3A_334 : memref<1000000x32xf32, #tpu.memory_space<hbm>>) target(%dma_start3A_328 : memref<128x32xf32, #tpu.memory_space<vmem>>) offsets(%dma_start3A_331 : memref<128xi32, #tpu.memory_space<vmem>>) semaphore(%dma_start3A_336 : memref<!tpu.dma_semaphore, #tpu.memory_space<semaphore_mem>>)
    %dma_wait3A_337 = arith.constant 0 : i32
    %dma_wait3A_338 = arith.constant 2 : i32
    %dma_wait3A_339 = arith.constant 2 : i32
    %dma_wait3A_340 = arith.constant 0 : i32
    %dma_wait3A_341 = arith.constant 0 : i32
    %dma_wait3A_342 = tpu.memref_slice %arg5[%dma_wait3A_338, %dma_wait3A_340, %dma_wait3A_341] : memref<7x4x128xi32, #tpu.memory_space<vmem>> -> memref<1x4x128xi32, #tpu.memory_space<vmem>>
    %dma_wait3A_343 = tpu.memref_squeeze %dma_wait3A_342 : memref<1x4x128xi32, #tpu.memory_space<vmem>> -> memref<4x128xi32, #tpu.memory_space<vmem>>
    %dma_wait3A_344 = arith.constant 0 : i32
    %dma_wait3A_345 = arith.constant 0 : i32
    %dma_wait3A_346 = tpu.memref_slice %arg2[%dma_wait3A_337, %dma_wait3A_344, %dma_wait3A_345] : memref<6400x4x128xi32, #tpu.memory_space<hbm>> -> memref<1x4x128xi32, #tpu.memory_space<hbm>>
    %dma_wait3A_347 = tpu.memref_squeeze %dma_wait3A_346 : memref<1x4x128xi32, #tpu.memory_space<hbm>> -> memref<4x128xi32, #tpu.memory_space<hbm>>
    %dma_wait3A_348 = tpu.memref_slice %arg7[%dma_wait3A_339] : memref<7x!tpu.dma_semaphore, #tpu.memory_space<semaphore_mem>> -> memref<1x!tpu.dma_semaphore, #tpu.memory_space<semaphore_mem>>
    %dma_wait3A_349 = tpu.memref_squeeze %dma_wait3A_348 : memref<1x!tpu.dma_semaphore, #tpu.memory_space<semaphore_mem>> -> memref<!tpu.dma_semaphore, #tpu.memory_space<semaphore_mem>>
    %dma_wait3A_350 = arith.constant 0 : i32
    %dma_wait3A_351 = arith.constant 0 : i32
    %dma_wait3A_352 = tpu.memref_slice %arg5[%dma_wait3A_338, %dma_wait3A_350, %dma_wait3A_351] : memref<7x4x128xi32, #tpu.memory_space<vmem>> -> memref<1x4x128xi32, #tpu.memory_space<vmem>>
    %dma_wait3A_353 = tpu.memref_squeeze %dma_wait3A_352 : memref<1x4x128xi32, #tpu.memory_space<vmem>> -> memref<4x128xi32, #tpu.memory_space<vmem>>
    %dma_wait3A_354 = arith.constant 0 : i32
    %dma_wait3A_355 = arith.constant 0 : i32
    %dma_wait3A_356 = tpu.memref_slice %arg2[%dma_wait3A_337, %dma_wait3A_354, %dma_wait3A_355] : memref<6400x4x128xi32, #tpu.memory_space<hbm>> -> memref<1x4x128xi32, #tpu.memory_space<hbm>>
    %dma_wait3A_357 = tpu.memref_squeeze %dma_wait3A_356 : memref<1x4x128xi32, #tpu.memory_space<hbm>> -> memref<4x128xi32, #tpu.memory_space<hbm>>
    tpu.wait_dma2 semaphore(%dma_wait3A_349 : memref<!tpu.dma_semaphore, #tpu.memory_space<semaphore_mem>>) src(%dma_wait3A_357 : memref<4x128xi32, #tpu.memory_space<hbm>>) dst(%dma_wait3A_353 : memref<4x128xi32, #tpu.memory_space<vmem>>)
    %dma_start3A_358 = arith.constant 2 : i32
    %dma_start3A_359 = arith.constant 0 : i32
    %dma_start3A_360 = arith.constant 2 : i32
    %dma_start3A_361 = arith.constant 2 : i32
    %dma_start3A_362 = arith.constant 0 : i32
    %dma_start3A_363 = arith.constant 0 : i32
    %dma_start3A_364 = tpu.memref_slice %arg6[%dma_start3A_360, %dma_start3A_362, %dma_start3A_363] : memref<7x512x32xf32, #tpu.memory_space<vmem>> -> memref<1x128x32xf32, #tpu.memory_space<vmem>>
    %dma_start3A_365 = tpu.memref_squeeze %dma_start3A_364 : memref<1x128x32xf32, #tpu.memory_space<vmem>> -> memref<128x32xf32, #tpu.memory_space<vmem>>
    %dma_start3A_366 = arith.constant 0 : i32
    %dma_start3A_367 = tpu.memref_slice %arg5[%dma_start3A_358, %dma_start3A_359, %dma_start3A_366] : memref<7x4x128xi32, #tpu.memory_space<vmem>> -> memref<1x1x128xi32, #tpu.memory_space<vmem>>
    %dma_start3A_368 = tpu.memref_squeeze %dma_start3A_367 : memref<1x1x128xi32, #tpu.memory_space<vmem>> -> memref<128xi32, #tpu.memory_space<vmem>>
    %dma_start3A_369 = arith.constant 0 : i32
    %dma_start3A_370 = arith.constant 0 : i32
    %dma_start3A_371 = tpu.memref_slice %arg3[%dma_start3A_369, %dma_start3A_370] : memref<1000000x32xf32, #tpu.memory_space<hbm>> -> memref<1000000x32xf32, #tpu.memory_space<hbm>>
    %dma_start3A_372 = tpu.memref_slice %arg8[%dma_start3A_361] : memref<7x!tpu.dma_semaphore, #tpu.memory_space<semaphore_mem>> -> memref<1x!tpu.dma_semaphore, #tpu.memory_space<semaphore_mem>>
    %dma_start3A_373 = tpu.memref_squeeze %dma_start3A_372 : memref<1x!tpu.dma_semaphore, #tpu.memory_space<semaphore_mem>> -> memref<!tpu.dma_semaphore, #tpu.memory_space<semaphore_mem>>
    tpu.enqueue_indirect_dma source(%dma_start3A_371 : memref<1000000x32xf32, #tpu.memory_space<hbm>>) target(%dma_start3A_365 : memref<128x32xf32, #tpu.memory_space<vmem>>) offsets(%dma_start3A_368 : memref<128xi32, #tpu.memory_space<vmem>>) semaphore(%dma_start3A_373 : memref<!tpu.dma_semaphore, #tpu.memory_space<semaphore_mem>>)
    %dma_start3A_374 = arith.constant 2 : i32
    %dma_start3A_375 = arith.constant 1 : i32
    %dma_start3A_376 = arith.constant 2 : i32
    %dma_start3A_377 = arith.constant 2 : i32
    %dma_start3A_378 = arith.constant 128 : i32
    %dma_start3A_379 = arith.constant 0 : i32
    %dma_start3A_380 = tpu.memref_slice %arg6[%dma_start3A_376, %dma_start3A_378, %dma_start3A_379] : memref<7x512x32xf32, #tpu.memory_space<vmem>> -> memref<1x128x32xf32, #tpu.memory_space<vmem>>
    %dma_start3A_381 = tpu.memref_squeeze %dma_start3A_380 : memref<1x128x32xf32, #tpu.memory_space<vmem>> -> memref<128x32xf32, #tpu.memory_space<vmem>>
    %dma_start3A_382 = arith.constant 0 : i32
    %dma_start3A_383 = tpu.memref_slice %arg5[%dma_start3A_374, %dma_start3A_375, %dma_start3A_382] : memref<7x4x128xi32, #tpu.memory_space<vmem>> -> memref<1x1x128xi32, #tpu.memory_space<vmem>>
    %dma_start3A_384 = tpu.memref_squeeze %dma_start3A_383 : memref<1x1x128xi32, #tpu.memory_space<vmem>> -> memref<128xi32, #tpu.memory_space<vmem>>
    %dma_start3A_385 = arith.constant 0 : i32
    %dma_start3A_386 = arith.constant 0 : i32
    %dma_start3A_387 = tpu.memref_slice %arg3[%dma_start3A_385, %dma_start3A_386] : memref<1000000x32xf32, #tpu.memory_space<hbm>> -> memref<1000000x32xf32, #tpu.memory_space<hbm>>
    %dma_start3A_388 = tpu.memref_slice %arg8[%dma_start3A_377] : memref<7x!tpu.dma_semaphore, #tpu.memory_space<semaphore_mem>> -> memref<1x!tpu.dma_semaphore, #tpu.memory_space<semaphore_mem>>
    %dma_start3A_389 = tpu.memref_squeeze %dma_start3A_388 : memref<1x!tpu.dma_semaphore, #tpu.memory_space<semaphore_mem>> -> memref<!tpu.dma_semaphore, #tpu.memory_space<semaphore_mem>>
    tpu.enqueue_indirect_dma source(%dma_start3A_387 : memref<1000000x32xf32, #tpu.memory_space<hbm>>) target(%dma_start3A_381 : memref<128x32xf32, #tpu.memory_space<vmem>>) offsets(%dma_start3A_384 : memref<128xi32, #tpu.memory_space<vmem>>) semaphore(%dma_start3A_389 : memref<!tpu.dma_semaphore, #tpu.memory_space<semaphore_mem>>)
    %dma_start3A_390 = arith.constant 2 : i32
    %dma_start3A_391 = arith.constant 2 : i32
    %dma_start3A_392 = arith.constant 2 : i32
    %dma_start3A_393 = arith.constant 2 : i32
    %dma_start3A_394 = arith.constant 256 : i32
    %dma_start3A_395 = arith.constant 0 : i32
    %dma_start3A_396 = tpu.memref_slice %arg6[%dma_start3A_392, %dma_start3A_394, %dma_start3A_395] : memref<7x512x32xf32, #tpu.memory_space<vmem>> -> memref<1x128x32xf32, #tpu.memory_space<vmem>>
    %dma_start3A_397 = tpu.memref_squeeze %dma_start3A_396 : memref<1x128x32xf32, #tpu.memory_space<vmem>> -> memref<128x32xf32, #tpu.memory_space<vmem>>
    %dma_start3A_398 = arith.constant 0 : i32
    %dma_start3A_399 = tpu.memref_slice %arg5[%dma_start3A_390, %dma_start3A_391, %dma_start3A_398] : memref<7x4x128xi32, #tpu.memory_space<vmem>> -> memref<1x1x128xi32, #tpu.memory_space<vmem>>
    %dma_start3A_400 = tpu.memref_squeeze %dma_start3A_399 : memref<1x1x128xi32, #tpu.memory_space<vmem>> -> memref<128xi32, #tpu.memory_space<vmem>>
    %dma_start3A_401 = arith.constant 0 : i32
    %dma_start3A_402 = arith.constant 0 : i32
    %dma_start3A_403 = tpu.memref_slice %arg3[%dma_start3A_401, %dma_start3A_402] : memref<1000000x32xf32, #tpu.memory_space<hbm>> -> memref<1000000x32xf32, #tpu.memory_space<hbm>>
    %dma_start3A_404 = tpu.memref_slice %arg8[%dma_start3A_393] : memref<7x!tpu.dma_semaphore, #tpu.memory_space<semaphore_mem>> -> memref<1x!tpu.dma_semaphore, #tpu.memory_space<semaphore_mem>>
    %dma_start3A_405 = tpu.memref_squeeze %dma_start3A_404 : memref<1x!tpu.dma_semaphore, #tpu.memory_space<semaphore_mem>> -> memref<!tpu.dma_semaphore, #tpu.memory_space<semaphore_mem>>
    tpu.enqueue_indirect_dma source(%dma_start3A_403 : memref<1000000x32xf32, #tpu.memory_space<hbm>>) target(%dma_start3A_397 : memref<128x32xf32, #tpu.memory_space<vmem>>) offsets(%dma_start3A_400 : memref<128xi32, #tpu.memory_space<vmem>>) semaphore(%dma_start3A_405 : memref<!tpu.dma_semaphore, #tpu.memory_space<semaphore_mem>>)
    %dma_start3A_406 = arith.constant 2 : i32
    %dma_start3A_407 = arith.constant 3 : i32
    %dma_start3A_408 = arith.constant 2 : i32
    %dma_start3A_409 = arith.constant 2 : i32
    %dma_start3A_410 = arith.constant 384 : i32
    %dma_start3A_411 = arith.constant 0 : i32
    %dma_start3A_412 = tpu.memref_slice %arg6[%dma_start3A_408, %dma_start3A_410, %dma_start3A_411] : memref<7x512x32xf32, #tpu.memory_space<vmem>> -> memref<1x128x32xf32, #tpu.memory_space<vmem>>
    %dma_start3A_413 = tpu.memref_squeeze %dma_start3A_412 : memref<1x128x32xf32, #tpu.memory_space<vmem>> -> memref<128x32xf32, #tpu.memory_space<vmem>>
    %dma_start3A_414 = arith.constant 0 : i32
    %dma_start3A_415 = tpu.memref_slice %arg5[%dma_start3A_406, %dma_start3A_407, %dma_start3A_414] : memref<7x4x128xi32, #tpu.memory_space<vmem>> -> memref<1x1x128xi32, #tpu.memory_space<vmem>>
    %dma_start3A_416 = tpu.memref_squeeze %dma_start3A_415 : memref<1x1x128xi32, #tpu.memory_space<vmem>> -> memref<128xi32, #tpu.memory_space<vmem>>
    %dma_start3A_417 = arith.constant 0 : i32
    %dma_start3A_418 = arith.constant 0 : i32
    %dma_start3A_419 = tpu.memref_slice %arg3[%dma_start3A_417, %dma_start3A_418] : memref<1000000x32xf32, #tpu.memory_space<hbm>> -> memref<1000000x32xf32, #tpu.memory_space<hbm>>
    %dma_start3A_420 = tpu.memref_slice %arg8[%dma_start3A_409] : memref<7x!tpu.dma_semaphore, #tpu.memory_space<semaphore_mem>> -> memref<1x!tpu.dma_semaphore, #tpu.memory_space<semaphore_mem>>
    %dma_start3A_421 = tpu.memref_squeeze %dma_start3A_420 : memref<1x!tpu.dma_semaphore, #tpu.memory_space<semaphore_mem>> -> memref<!tpu.dma_semaphore, #tpu.memory_space<semaphore_mem>>
    tpu.enqueue_indirect_dma source(%dma_start3A_419 : memref<1000000x32xf32, #tpu.memory_space<hbm>>) target(%dma_start3A_413 : memref<128x32xf32, #tpu.memory_space<vmem>>) offsets(%dma_start3A_416 : memref<128xi32, #tpu.memory_space<vmem>>) semaphore(%dma_start3A_421 : memref<!tpu.dma_semaphore, #tpu.memory_space<semaphore_mem>>)
    %dma_wait3A_422 = arith.constant 0 : i32
    %dma_wait3A_423 = arith.constant 3 : i32
    %dma_wait3A_424 = arith.constant 3 : i32
    %dma_wait3A_425 = arith.constant 0 : i32
    %dma_wait3A_426 = arith.constant 0 : i32
    %dma_wait3A_427 = tpu.memref_slice %arg5[%dma_wait3A_423, %dma_wait3A_425, %dma_wait3A_426] : memref<7x4x128xi32, #tpu.memory_space<vmem>> -> memref<1x4x128xi32, #tpu.memory_space<vmem>>
    %dma_wait3A_428 = tpu.memref_squeeze %dma_wait3A_427 : memref<1x4x128xi32, #tpu.memory_space<vmem>> -> memref<4x128xi32, #tpu.memory_space<vmem>>
    %dma_wait3A_429 = arith.constant 0 : i32
    %dma_wait3A_430 = arith.constant 0 : i32
    %dma_wait3A_431 = tpu.memref_slice %arg2[%dma_wait3A_422, %dma_wait3A_429, %dma_wait3A_430] : memref<6400x4x128xi32, #tpu.memory_space<hbm>> -> memref<1x4x128xi32, #tpu.memory_space<hbm>>
    %dma_wait3A_432 = tpu.memref_squeeze %dma_wait3A_431 : memref<1x4x128xi32, #tpu.memory_space<hbm>> -> memref<4x128xi32, #tpu.memory_space<hbm>>
    %dma_wait3A_433 = tpu.memref_slice %arg7[%dma_wait3A_424] : memref<7x!tpu.dma_semaphore, #tpu.memory_space<semaphore_mem>> -> memref<1x!tpu.dma_semaphore, #tpu.memory_space<semaphore_mem>>
    %dma_wait3A_434 = tpu.memref_squeeze %dma_wait3A_433 : memref<1x!tpu.dma_semaphore, #tpu.memory_space<semaphore_mem>> -> memref<!tpu.dma_semaphore, #tpu.memory_space<semaphore_mem>>
    %dma_wait3A_435 = arith.constant 0 : i32
    %dma_wait3A_436 = arith.constant 0 : i32
    %dma_wait3A_437 = tpu.memref_slice %arg5[%dma_wait3A_423, %dma_wait3A_435, %dma_wait3A_436] : memref<7x4x128xi32, #tpu.memory_space<vmem>> -> memref<1x4x128xi32, #tpu.memory_space<vmem>>
    %dma_wait3A_438 = tpu.memref_squeeze %dma_wait3A_437 : memref<1x4x128xi32, #tpu.memory_space<vmem>> -> memref<4x128xi32, #tpu.memory_space<vmem>>
    %dma_wait3A_439 = arith.constant 0 : i32
    %dma_wait3A_440 = arith.constant 0 : i32
    %dma_wait3A_441 = tpu.memref_slice %arg2[%dma_wait3A_422, %dma_wait3A_439, %dma_wait3A_440] : memref<6400x4x128xi32, #tpu.memory_space<hbm>> -> memref<1x4x128xi32, #tpu.memory_space<hbm>>
    %dma_wait3A_442 = tpu.memref_squeeze %dma_wait3A_441 : memref<1x4x128xi32, #tpu.memory_space<hbm>> -> memref<4x128xi32, #tpu.memory_space<hbm>>
    tpu.wait_dma2 semaphore(%dma_wait3A_434 : memref<!tpu.dma_semaphore, #tpu.memory_space<semaphore_mem>>) src(%dma_wait3A_442 : memref<4x128xi32, #tpu.memory_space<hbm>>) dst(%dma_wait3A_438 : memref<4x128xi32, #tpu.memory_space<vmem>>)
    %dma_start3A_443 = arith.constant 3 : i32
    %dma_start3A_444 = arith.constant 0 : i32
    %dma_start3A_445 = arith.constant 3 : i32
    %dma_start3A_446 = arith.constant 3 : i32
    %dma_start3A_447 = arith.constant 0 : i32
    %dma_start3A_448 = arith.constant 0 : i32
    %dma_start3A_449 = tpu.memref_slice %arg6[%dma_start3A_445, %dma_start3A_447, %dma_start3A_448] : memref<7x512x32xf32, #tpu.memory_space<vmem>> -> memref<1x128x32xf32, #tpu.memory_space<vmem>>
    %dma_start3A_450 = tpu.memref_squeeze %dma_start3A_449 : memref<1x128x32xf32, #tpu.memory_space<vmem>> -> memref<128x32xf32, #tpu.memory_space<vmem>>
    %dma_start3A_451 = arith.constant 0 : i32
    %dma_start3A_452 = tpu.memref_slice %arg5[%dma_start3A_443, %dma_start3A_444, %dma_start3A_451] : memref<7x4x128xi32, #tpu.memory_space<vmem>> -> memref<1x1x128xi32, #tpu.memory_space<vmem>>
    %dma_start3A_453 = tpu.memref_squeeze %dma_start3A_452 : memref<1x1x128xi32, #tpu.memory_space<vmem>> -> memref<128xi32, #tpu.memory_space<vmem>>
    %dma_start3A_454 = arith.constant 0 : i32
    %dma_start3A_455 = arith.constant 0 : i32
    %dma_start3A_456 = tpu.memref_slice %arg3[%dma_start3A_454, %dma_start3A_455] : memref<1000000x32xf32, #tpu.memory_space<hbm>> -> memref<1000000x32xf32, #tpu.memory_space<hbm>>
    %dma_start3A_457 = tpu.memref_slice %arg8[%dma_start3A_446] : memref<7x!tpu.dma_semaphore, #tpu.memory_space<semaphore_mem>> -> memref<1x!tpu.dma_semaphore, #tpu.memory_space<semaphore_mem>>
    %dma_start3A_458 = tpu.memref_squeeze %dma_start3A_457 : memref<1x!tpu.dma_semaphore, #tpu.memory_space<semaphore_mem>> -> memref<!tpu.dma_semaphore, #tpu.memory_space<semaphore_mem>>
    tpu.enqueue_indirect_dma source(%dma_start3A_456 : memref<1000000x32xf32, #tpu.memory_space<hbm>>) target(%dma_start3A_450 : memref<128x32xf32, #tpu.memory_space<vmem>>) offsets(%dma_start3A_453 : memref<128xi32, #tpu.memory_space<vmem>>) semaphore(%dma_start3A_458 : memref<!tpu.dma_semaphore, #tpu.memory_space<semaphore_mem>>)
    %dma_start3A_459 = arith.constant 3 : i32
    %dma_start3A_460 = arith.constant 1 : i32
    %dma_start3A_461 = arith.constant 3 : i32
    %dma_start3A_462 = arith.constant 3 : i32
    %dma_start3A_463 = arith.constant 128 : i32
    %dma_start3A_464 = arith.constant 0 : i32
    %dma_start3A_465 = tpu.memref_slice %arg6[%dma_start3A_461, %dma_start3A_463, %dma_start3A_464] : memref<7x512x32xf32, #tpu.memory_space<vmem>> -> memref<1x128x32xf32, #tpu.memory_space<vmem>>
    %dma_start3A_466 = tpu.memref_squeeze %dma_start3A_465 : memref<1x128x32xf32, #tpu.memory_space<vmem>> -> memref<128x32xf32, #tpu.memory_space<vmem>>
    %dma_start3A_467 = arith.constant 0 : i32
    %dma_start3A_468 = tpu.memref_slice %arg5[%dma_start3A_459, %dma_start3A_460, %dma_start3A_467] : memref<7x4x128xi32, #tpu.memory_space<vmem>> -> memref<1x1x128xi32, #tpu.memory_space<vmem>>
    %dma_start3A_469 = tpu.memref_squeeze %dma_start3A_468 : memref<1x1x128xi32, #tpu.memory_space<vmem>> -> memref<128xi32, #tpu.memory_space<vmem>>
    %dma_start3A_470 = arith.constant 0 : i32
    %dma_start3A_471 = arith.constant 0 : i32
    %dma_start3A_472 = tpu.memref_slice %arg3[%dma_start3A_470, %dma_start3A_471] : memref<1000000x32xf32, #tpu.memory_space<hbm>> -> memref<1000000x32xf32, #tpu.memory_space<hbm>>
    %dma_start3A_473 = tpu.memref_slice %arg8[%dma_start3A_462] : memref<7x!tpu.dma_semaphore, #tpu.memory_space<semaphore_mem>> -> memref<1x!tpu.dma_semaphore, #tpu.memory_space<semaphore_mem>>
    %dma_start3A_474 = tpu.memref_squeeze %dma_start3A_473 : memref<1x!tpu.dma_semaphore, #tpu.memory_space<semaphore_mem>> -> memref<!tpu.dma_semaphore, #tpu.memory_space<semaphore_mem>>
    tpu.enqueue_indirect_dma source(%dma_start3A_472 : memref<1000000x32xf32, #tpu.memory_space<hbm>>) target(%dma_start3A_466 : memref<128x32xf32, #tpu.memory_space<vmem>>) offsets(%dma_start3A_469 : memref<128xi32, #tpu.memory_space<vmem>>) semaphore(%dma_start3A_474 : memref<!tpu.dma_semaphore, #tpu.memory_space<semaphore_mem>>)
    %dma_start3A_475 = arith.constant 3 : i32
    %dma_start3A_476 = arith.constant 2 : i32
    %dma_start3A_477 = arith.constant 3 : i32
    %dma_start3A_478 = arith.constant 3 : i32
    %dma_start3A_479 = arith.constant 256 : i32
    %dma_start3A_480 = arith.constant 0 : i32
    %dma_start3A_481 = tpu.memref_slice %arg6[%dma_start3A_477, %dma_start3A_479, %dma_start3A_480] : memref<7x512x32xf32, #tpu.memory_space<vmem>> -> memref<1x128x32xf32, #tpu.memory_space<vmem>>
    %dma_start3A_482 = tpu.memref_squeeze %dma_start3A_481 : memref<1x128x32xf32, #tpu.memory_space<vmem>> -> memref<128x32xf32, #tpu.memory_space<vmem>>
    %dma_start3A_483 = arith.constant 0 : i32
    %dma_start3A_484 = tpu.memref_slice %arg5[%dma_start3A_475, %dma_start3A_476, %dma_start3A_483] : memref<7x4x128xi32, #tpu.memory_space<vmem>> -> memref<1x1x128xi32, #tpu.memory_space<vmem>>
    %dma_start3A_485 = tpu.memref_squeeze %dma_start3A_484 : memref<1x1x128xi32, #tpu.memory_space<vmem>> -> memref<128xi32, #tpu.memory_space<vmem>>
    %dma_start3A_486 = arith.constant 0 : i32
    %dma_start3A_487 = arith.constant 0 : i32
    %dma_start3A_488 = tpu.memref_slice %arg3[%dma_start3A_486, %dma_start3A_487] : memref<1000000x32xf32, #tpu.memory_space<hbm>> -> memref<1000000x32xf32, #tpu.memory_space<hbm>>
    %dma_start3A_489 = tpu.memref_slice %arg8[%dma_start3A_478] : memref<7x!tpu.dma_semaphore, #tpu.memory_space<semaphore_mem>> -> memref<1x!tpu.dma_semaphore, #tpu.memory_space<semaphore_mem>>
    %dma_start3A_490 = tpu.memref_squeeze %dma_start3A_489 : memref<1x!tpu.dma_semaphore, #tpu.memory_space<semaphore_mem>> -> memref<!tpu.dma_semaphore, #tpu.memory_space<semaphore_mem>>
    tpu.enqueue_indirect_dma source(%dma_start3A_488 : memref<1000000x32xf32, #tpu.memory_space<hbm>>) target(%dma_start3A_482 : memref<128x32xf32, #tpu.memory_space<vmem>>) offsets(%dma_start3A_485 : memref<128xi32, #tpu.memory_space<vmem>>) semaphore(%dma_start3A_490 : memref<!tpu.dma_semaphore, #tpu.memory_space<semaphore_mem>>)
    %dma_start3A_491 = arith.constant 3 : i32
    %dma_start3A_492 = arith.constant 3 : i32
    %dma_start3A_493 = arith.constant 3 : i32
    %dma_start3A_494 = arith.constant 3 : i32
    %dma_start3A_495 = arith.constant 384 : i32
    %dma_start3A_496 = arith.constant 0 : i32
    %dma_start3A_497 = tpu.memref_slice %arg6[%dma_start3A_493, %dma_start3A_495, %dma_start3A_496] : memref<7x512x32xf32, #tpu.memory_space<vmem>> -> memref<1x128x32xf32, #tpu.memory_space<vmem>>
    %dma_start3A_498 = tpu.memref_squeeze %dma_start3A_497 : memref<1x128x32xf32, #tpu.memory_space<vmem>> -> memref<128x32xf32, #tpu.memory_space<vmem>>
    %dma_start3A_499 = arith.constant 0 : i32
    %dma_start3A_500 = tpu.memref_slice %arg5[%dma_start3A_491, %dma_start3A_492, %dma_start3A_499] : memref<7x4x128xi32, #tpu.memory_space<vmem>> -> memref<1x1x128xi32, #tpu.memory_space<vmem>>
    %dma_start3A_501 = tpu.memref_squeeze %dma_start3A_500 : memref<1x1x128xi32, #tpu.memory_space<vmem>> -> memref<128xi32, #tpu.memory_space<vmem>>
    %dma_start3A_502 = arith.constant 0 : i32
    %dma_start3A_503 = arith.constant 0 : i32
    %dma_start3A_504 = tpu.memref_slice %arg3[%dma_start3A_502, %dma_start3A_503] : memref<1000000x32xf32, #tpu.memory_space<hbm>> -> memref<1000000x32xf32, #tpu.memory_space<hbm>>
    %dma_start3A_505 = tpu.memref_slice %arg8[%dma_start3A_494] : memref<7x!tpu.dma_semaphore, #tpu.memory_space<semaphore_mem>> -> memref<1x!tpu.dma_semaphore, #tpu.memory_space<semaphore_mem>>
    %dma_start3A_506 = tpu.memref_squeeze %dma_start3A_505 : memref<1x!tpu.dma_semaphore, #tpu.memory_space<semaphore_mem>> -> memref<!tpu.dma_semaphore, #tpu.memory_space<semaphore_mem>>
    tpu.enqueue_indirect_dma source(%dma_start3A_504 : memref<1000000x32xf32, #tpu.memory_space<hbm>>) target(%dma_start3A_498 : memref<128x32xf32, #tpu.memory_space<vmem>>) offsets(%dma_start3A_501 : memref<128xi32, #tpu.memory_space<vmem>>) semaphore(%dma_start3A_506 : memref<!tpu.dma_semaphore, #tpu.memory_space<semaphore_mem>>)
    %dma_wait3A_507 = arith.constant 0 : i32
    %dma_wait3A_508 = arith.constant 4 : i32
    %dma_wait3A_509 = arith.constant 4 : i32
    %dma_wait3A_510 = arith.constant 0 : i32
    %dma_wait3A_511 = arith.constant 0 : i32
    %dma_wait3A_512 = tpu.memref_slice %arg5[%dma_wait3A_508, %dma_wait3A_510, %dma_wait3A_511] : memref<7x4x128xi32, #tpu.memory_space<vmem>> -> memref<1x4x128xi32, #tpu.memory_space<vmem>>
    %dma_wait3A_513 = tpu.memref_squeeze %dma_wait3A_512 : memref<1x4x128xi32, #tpu.memory_space<vmem>> -> memref<4x128xi32, #tpu.memory_space<vmem>>
    %dma_wait3A_514 = arith.constant 0 : i32
    %dma_wait3A_515 = arith.constant 0 : i32
    %dma_wait3A_516 = tpu.memref_slice %arg2[%dma_wait3A_507, %dma_wait3A_514, %dma_wait3A_515] : memref<6400x4x128xi32, #tpu.memory_space<hbm>> -> memref<1x4x128xi32, #tpu.memory_space<hbm>>
    %dma_wait3A_517 = tpu.memref_squeeze %dma_wait3A_516 : memref<1x4x128xi32, #tpu.memory_space<hbm>> -> memref<4x128xi32, #tpu.memory_space<hbm>>
    %dma_wait3A_518 = tpu.memref_slice %arg7[%dma_wait3A_509] : memref<7x!tpu.dma_semaphore, #tpu.memory_space<semaphore_mem>> -> memref<1x!tpu.dma_semaphore, #tpu.memory_space<semaphore_mem>>
    %dma_wait3A_519 = tpu.memref_squeeze %dma_wait3A_518 : memref<1x!tpu.dma_semaphore, #tpu.memory_space<semaphore_mem>> -> memref<!tpu.dma_semaphore, #tpu.memory_space<semaphore_mem>>
    %dma_wait3A_520 = arith.constant 0 : i32
    %dma_wait3A_521 = arith.constant 0 : i32
    %dma_wait3A_522 = tpu.memref_slice %arg5[%dma_wait3A_508, %dma_wait3A_520, %dma_wait3A_521] : memref<7x4x128xi32, #tpu.memory_space<vmem>> -> memref<1x4x128xi32, #tpu.memory_space<vmem>>
    %dma_wait3A_523 = tpu.memref_squeeze %dma_wait3A_522 : memref<1x4x128xi32, #tpu.memory_space<vmem>> -> memref<4x128xi32, #tpu.memory_space<vmem>>
    %dma_wait3A_524 = arith.constant 0 : i32
    %dma_wait3A_525 = arith.constant 0 : i32
    %dma_wait3A_526 = tpu.memref_slice %arg2[%dma_wait3A_507, %dma_wait3A_524, %dma_wait3A_525] : memref<6400x4x128xi32, #tpu.memory_space<hbm>> -> memref<1x4x128xi32, #tpu.memory_space<hbm>>
    %dma_wait3A_527 = tpu.memref_squeeze %dma_wait3A_526 : memref<1x4x128xi32, #tpu.memory_space<hbm>> -> memref<4x128xi32, #tpu.memory_space<hbm>>
    tpu.wait_dma2 semaphore(%dma_wait3A_519 : memref<!tpu.dma_semaphore, #tpu.memory_space<semaphore_mem>>) src(%dma_wait3A_527 : memref<4x128xi32, #tpu.memory_space<hbm>>) dst(%dma_wait3A_523 : memref<4x128xi32, #tpu.memory_space<vmem>>)
    %dma_start3A_528 = arith.constant 4 : i32
    %dma_start3A_529 = arith.constant 0 : i32
    %dma_start3A_530 = arith.constant 4 : i32
    %dma_start3A_531 = arith.constant 4 : i32
    %dma_start3A_532 = arith.constant 0 : i32
    %dma_start3A_533 = arith.constant 0 : i32
    %dma_start3A_534 = tpu.memref_slice %arg6[%dma_start3A_530, %dma_start3A_532, %dma_start3A_533] : memref<7x512x32xf32, #tpu.memory_space<vmem>> -> memref<1x128x32xf32, #tpu.memory_space<vmem>>
    %dma_start3A_535 = tpu.memref_squeeze %dma_start3A_534 : memref<1x128x32xf32, #tpu.memory_space<vmem>> -> memref<128x32xf32, #tpu.memory_space<vmem>>
    %dma_start3A_536 = arith.constant 0 : i32
    %dma_start3A_537 = tpu.memref_slice %arg5[%dma_start3A_528, %dma_start3A_529, %dma_start3A_536] : memref<7x4x128xi32, #tpu.memory_space<vmem>> -> memref<1x1x128xi32, #tpu.memory_space<vmem>>
    %dma_start3A_538 = tpu.memref_squeeze %dma_start3A_537 : memref<1x1x128xi32, #tpu.memory_space<vmem>> -> memref<128xi32, #tpu.memory_space<vmem>>
    %dma_start3A_539 = arith.constant 0 : i32
    %dma_start3A_540 = arith.constant 0 : i32
    %dma_start3A_541 = tpu.memref_slice %arg3[%dma_start3A_539, %dma_start3A_540] : memref<1000000x32xf32, #tpu.memory_space<hbm>> -> memref<1000000x32xf32, #tpu.memory_space<hbm>>
    %dma_start3A_542 = tpu.memref_slice %arg8[%dma_start3A_531] : memref<7x!tpu.dma_semaphore, #tpu.memory_space<semaphore_mem>> -> memref<1x!tpu.dma_semaphore, #tpu.memory_space<semaphore_mem>>
    %dma_start3A_543 = tpu.memref_squeeze %dma_start3A_542 : memref<1x!tpu.dma_semaphore, #tpu.memory_space<semaphore_mem>> -> memref<!tpu.dma_semaphore, #tpu.memory_space<semaphore_mem>>
    tpu.enqueue_indirect_dma source(%dma_start3A_541 : memref<1000000x32xf32, #tpu.memory_space<hbm>>) target(%dma_start3A_535 : memref<128x32xf32, #tpu.memory_space<vmem>>) offsets(%dma_start3A_538 : memref<128xi32, #tpu.memory_space<vmem>>) semaphore(%dma_start3A_543 : memref<!tpu.dma_semaphore, #tpu.memory_space<semaphore_mem>>)
    %dma_start3A_544 = arith.constant 4 : i32
    %dma_start3A_545 = arith.constant 1 : i32
    %dma_start3A_546 = arith.constant 4 : i32
    %dma_start3A_547 = arith.constant 4 : i32
    %dma_start3A_548 = arith.constant 128 : i32
    %dma_start3A_549 = arith.constant 0 : i32
    %dma_start3A_550 = tpu.memref_slice %arg6[%dma_start3A_546, %dma_start3A_548, %dma_start3A_549] : memref<7x512x32xf32, #tpu.memory_space<vmem>> -> memref<1x128x32xf32, #tpu.memory_space<vmem>>
    %dma_start3A_551 = tpu.memref_squeeze %dma_start3A_550 : memref<1x128x32xf32, #tpu.memory_space<vmem>> -> memref<128x32xf32, #tpu.memory_space<vmem>>
    %dma_start3A_552 = arith.constant 0 : i32
    %dma_start3A_553 = tpu.memref_slice %arg5[%dma_start3A_544, %dma_start3A_545, %dma_start3A_552] : memref<7x4x128xi32, #tpu.memory_space<vmem>> -> memref<1x1x128xi32, #tpu.memory_space<vmem>>
    %dma_start3A_554 = tpu.memref_squeeze %dma_start3A_553 : memref<1x1x128xi32, #tpu.memory_space<vmem>> -> memref<128xi32, #tpu.memory_space<vmem>>
    %dma_start3A_555 = arith.constant 0 : i32
    %dma_start3A_556 = arith.constant 0 : i32
    %dma_start3A_557 = tpu.memref_slice %arg3[%dma_start3A_555, %dma_start3A_556] : memref<1000000x32xf32, #tpu.memory_space<hbm>> -> memref<1000000x32xf32, #tpu.memory_space<hbm>>
    %dma_start3A_558 = tpu.memref_slice %arg8[%dma_start3A_547] : memref<7x!tpu.dma_semaphore, #tpu.memory_space<semaphore_mem>> -> memref<1x!tpu.dma_semaphore, #tpu.memory_space<semaphore_mem>>
    %dma_start3A_559 = tpu.memref_squeeze %dma_start3A_558 : memref<1x!tpu.dma_semaphore, #tpu.memory_space<semaphore_mem>> -> memref<!tpu.dma_semaphore, #tpu.memory_space<semaphore_mem>>
    tpu.enqueue_indirect_dma source(%dma_start3A_557 : memref<1000000x32xf32, #tpu.memory_space<hbm>>) target(%dma_start3A_551 : memref<128x32xf32, #tpu.memory_space<vmem>>) offsets(%dma_start3A_554 : memref<128xi32, #tpu.memory_space<vmem>>) semaphore(%dma_start3A_559 : memref<!tpu.dma_semaphore, #tpu.memory_space<semaphore_mem>>)
    %dma_start3A_560 = arith.constant 4 : i32
    %dma_start3A_561 = arith.constant 2 : i32
    %dma_start3A_562 = arith.constant 4 : i32
    %dma_start3A_563 = arith.constant 4 : i32
    %dma_start3A_564 = arith.constant 256 : i32
    %dma_start3A_565 = arith.constant 0 : i32
    %dma_start3A_566 = tpu.memref_slice %arg6[%dma_start3A_562, %dma_start3A_564, %dma_start3A_565] : memref<7x512x32xf32, #tpu.memory_space<vmem>> -> memref<1x128x32xf32, #tpu.memory_space<vmem>>
    %dma_start3A_567 = tpu.memref_squeeze %dma_start3A_566 : memref<1x128x32xf32, #tpu.memory_space<vmem>> -> memref<128x32xf32, #tpu.memory_space<vmem>>
    %dma_start3A_568 = arith.constant 0 : i32
    %dma_start3A_569 = tpu.memref_slice %arg5[%dma_start3A_560, %dma_start3A_561, %dma_start3A_568] : memref<7x4x128xi32, #tpu.memory_space<vmem>> -> memref<1x1x128xi32, #tpu.memory_space<vmem>>
    %dma_start3A_570 = tpu.memref_squeeze %dma_start3A_569 : memref<1x1x128xi32, #tpu.memory_space<vmem>> -> memref<128xi32, #tpu.memory_space<vmem>>
    %dma_start3A_571 = arith.constant 0 : i32
    %dma_start3A_572 = arith.constant 0 : i32
    %dma_start3A_573 = tpu.memref_slice %arg3[%dma_start3A_571, %dma_start3A_572] : memref<1000000x32xf32, #tpu.memory_space<hbm>> -> memref<1000000x32xf32, #tpu.memory_space<hbm>>
    %dma_start3A_574 = tpu.memref_slice %arg8[%dma_start3A_563] : memref<7x!tpu.dma_semaphore, #tpu.memory_space<semaphore_mem>> -> memref<1x!tpu.dma_semaphore, #tpu.memory_space<semaphore_mem>>
    %dma_start3A_575 = tpu.memref_squeeze %dma_start3A_574 : memref<1x!tpu.dma_semaphore, #tpu.memory_space<semaphore_mem>> -> memref<!tpu.dma_semaphore, #tpu.memory_space<semaphore_mem>>
    tpu.enqueue_indirect_dma source(%dma_start3A_573 : memref<1000000x32xf32, #tpu.memory_space<hbm>>) target(%dma_start3A_567 : memref<128x32xf32, #tpu.memory_space<vmem>>) offsets(%dma_start3A_570 : memref<128xi32, #tpu.memory_space<vmem>>) semaphore(%dma_start3A_575 : memref<!tpu.dma_semaphore, #tpu.memory_space<semaphore_mem>>)
    %dma_start3A_576 = arith.constant 4 : i32
    %dma_start3A_577 = arith.constant 3 : i32
    %dma_start3A_578 = arith.constant 4 : i32
    %dma_start3A_579 = arith.constant 4 : i32
    %dma_start3A_580 = arith.constant 384 : i32
    %dma_start3A_581 = arith.constant 0 : i32
    %dma_start3A_582 = tpu.memref_slice %arg6[%dma_start3A_578, %dma_start3A_580, %dma_start3A_581] : memref<7x512x32xf32, #tpu.memory_space<vmem>> -> memref<1x128x32xf32, #tpu.memory_space<vmem>>
    %dma_start3A_583 = tpu.memref_squeeze %dma_start3A_582 : memref<1x128x32xf32, #tpu.memory_space<vmem>> -> memref<128x32xf32, #tpu.memory_space<vmem>>
    %dma_start3A_584 = arith.constant 0 : i32
    %dma_start3A_585 = tpu.memref_slice %arg5[%dma_start3A_576, %dma_start3A_577, %dma_start3A_584] : memref<7x4x128xi32, #tpu.memory_space<vmem>> -> memref<1x1x128xi32, #tpu.memory_space<vmem>>
    %dma_start3A_586 = tpu.memref_squeeze %dma_start3A_585 : memref<1x1x128xi32, #tpu.memory_space<vmem>> -> memref<128xi32, #tpu.memory_space<vmem>>
    %dma_start3A_587 = arith.constant 0 : i32
    %dma_start3A_588 = arith.constant 0 : i32
    %dma_start3A_589 = tpu.memref_slice %arg3[%dma_start3A_587, %dma_start3A_588] : memref<1000000x32xf32, #tpu.memory_space<hbm>> -> memref<1000000x32xf32, #tpu.memory_space<hbm>>
    %dma_start3A_590 = tpu.memref_slice %arg8[%dma_start3A_579] : memref<7x!tpu.dma_semaphore, #tpu.memory_space<semaphore_mem>> -> memref<1x!tpu.dma_semaphore, #tpu.memory_space<semaphore_mem>>
    %dma_start3A_591 = tpu.memref_squeeze %dma_start3A_590 : memref<1x!tpu.dma_semaphore, #tpu.memory_space<semaphore_mem>> -> memref<!tpu.dma_semaphore, #tpu.memory_space<semaphore_mem>>
    tpu.enqueue_indirect_dma source(%dma_start3A_589 : memref<1000000x32xf32, #tpu.memory_space<hbm>>) target(%dma_start3A_583 : memref<128x32xf32, #tpu.memory_space<vmem>>) offsets(%dma_start3A_586 : memref<128xi32, #tpu.memory_space<vmem>>) semaphore(%dma_start3A_591 : memref<!tpu.dma_semaphore, #tpu.memory_space<semaphore_mem>>)
    %dma_wait3A_592 = arith.constant 0 : i32
    %dma_wait3A_593 = arith.constant 5 : i32
    %dma_wait3A_594 = arith.constant 5 : i32
    %dma_wait3A_595 = arith.constant 0 : i32
    %dma_wait3A_596 = arith.constant 0 : i32
    %dma_wait3A_597 = tpu.memref_slice %arg5[%dma_wait3A_593, %dma_wait3A_595, %dma_wait3A_596] : memref<7x4x128xi32, #tpu.memory_space<vmem>> -> memref<1x4x128xi32, #tpu.memory_space<vmem>>
    %dma_wait3A_598 = tpu.memref_squeeze %dma_wait3A_597 : memref<1x4x128xi32, #tpu.memory_space<vmem>> -> memref<4x128xi32, #tpu.memory_space<vmem>>
    %dma_wait3A_599 = arith.constant 0 : i32
    %dma_wait3A_600 = arith.constant 0 : i32
    %dma_wait3A_601 = tpu.memref_slice %arg2[%dma_wait3A_592, %dma_wait3A_599, %dma_wait3A_600] : memref<6400x4x128xi32, #tpu.memory_space<hbm>> -> memref<1x4x128xi32, #tpu.memory_space<hbm>>
    %dma_wait3A_602 = tpu.memref_squeeze %dma_wait3A_601 : memref<1x4x128xi32, #tpu.memory_space<hbm>> -> memref<4x128xi32, #tpu.memory_space<hbm>>
    %dma_wait3A_603 = tpu.memref_slice %arg7[%dma_wait3A_594] : memref<7x!tpu.dma_semaphore, #tpu.memory_space<semaphore_mem>> -> memref<1x!tpu.dma_semaphore, #tpu.memory_space<semaphore_mem>>
    %dma_wait3A_604 = tpu.memref_squeeze %dma_wait3A_603 : memref<1x!tpu.dma_semaphore, #tpu.memory_space<semaphore_mem>> -> memref<!tpu.dma_semaphore, #tpu.memory_space<semaphore_mem>>
    %dma_wait3A_605 = arith.constant 0 : i32
    %dma_wait3A_606 = arith.constant 0 : i32
    %dma_wait3A_607 = tpu.memref_slice %arg5[%dma_wait3A_593, %dma_wait3A_605, %dma_wait3A_606] : memref<7x4x128xi32, #tpu.memory_space<vmem>> -> memref<1x4x128xi32, #tpu.memory_space<vmem>>
    %dma_wait3A_608 = tpu.memref_squeeze %dma_wait3A_607 : memref<1x4x128xi32, #tpu.memory_space<vmem>> -> memref<4x128xi32, #tpu.memory_space<vmem>>
    %dma_wait3A_609 = arith.constant 0 : i32
    %dma_wait3A_610 = arith.constant 0 : i32
    %dma_wait3A_611 = tpu.memref_slice %arg2[%dma_wait3A_592, %dma_wait3A_609, %dma_wait3A_610] : memref<6400x4x128xi32, #tpu.memory_space<hbm>> -> memref<1x4x128xi32, #tpu.memory_space<hbm>>
    %dma_wait3A_612 = tpu.memref_squeeze %dma_wait3A_611 : memref<1x4x128xi32, #tpu.memory_space<hbm>> -> memref<4x128xi32, #tpu.memory_space<hbm>>
    tpu.wait_dma2 semaphore(%dma_wait3A_604 : memref<!tpu.dma_semaphore, #tpu.memory_space<semaphore_mem>>) src(%dma_wait3A_612 : memref<4x128xi32, #tpu.memory_space<hbm>>) dst(%dma_wait3A_608 : memref<4x128xi32, #tpu.memory_space<vmem>>)
    %dma_start3A_613 = arith.constant 5 : i32
    %dma_start3A_614 = arith.constant 0 : i32
    %dma_start3A_615 = arith.constant 5 : i32
    %dma_start3A_616 = arith.constant 5 : i32
    %dma_start3A_617 = arith.constant 0 : i32
    %dma_start3A_618 = arith.constant 0 : i32
    %dma_start3A_619 = tpu.memref_slice %arg6[%dma_start3A_615, %dma_start3A_617, %dma_start3A_618] : memref<7x512x32xf32, #tpu.memory_space<vmem>> -> memref<1x128x32xf32, #tpu.memory_space<vmem>>
    %dma_start3A_620 = tpu.memref_squeeze %dma_start3A_619 : memref<1x128x32xf32, #tpu.memory_space<vmem>> -> memref<128x32xf32, #tpu.memory_space<vmem>>
    %dma_start3A_621 = arith.constant 0 : i32
    %dma_start3A_622 = tpu.memref_slice %arg5[%dma_start3A_613, %dma_start3A_614, %dma_start3A_621] : memref<7x4x128xi32, #tpu.memory_space<vmem>> -> memref<1x1x128xi32, #tpu.memory_space<vmem>>
    %dma_start3A_623 = tpu.memref_squeeze %dma_start3A_622 : memref<1x1x128xi32, #tpu.memory_space<vmem>> -> memref<128xi32, #tpu.memory_space<vmem>>
    %dma_start3A_624 = arith.constant 0 : i32
    %dma_start3A_625 = arith.constant 0 : i32
    %dma_start3A_626 = tpu.memref_slice %arg3[%dma_start3A_624, %dma_start3A_625] : memref<1000000x32xf32, #tpu.memory_space<hbm>> -> memref<1000000x32xf32, #tpu.memory_space<hbm>>
    %dma_start3A_627 = tpu.memref_slice %arg8[%dma_start3A_616] : memref<7x!tpu.dma_semaphore, #tpu.memory_space<semaphore_mem>> -> memref<1x!tpu.dma_semaphore, #tpu.memory_space<semaphore_mem>>
    %dma_start3A_628 = tpu.memref_squeeze %dma_start3A_627 : memref<1x!tpu.dma_semaphore, #tpu.memory_space<semaphore_mem>> -> memref<!tpu.dma_semaphore, #tpu.memory_space<semaphore_mem>>
    tpu.enqueue_indirect_dma source(%dma_start3A_626 : memref<1000000x32xf32, #tpu.memory_space<hbm>>) target(%dma_start3A_620 : memref<128x32xf32, #tpu.memory_space<vmem>>) offsets(%dma_start3A_623 : memref<128xi32, #tpu.memory_space<vmem>>) semaphore(%dma_start3A_628 : memref<!tpu.dma_semaphore, #tpu.memory_space<semaphore_mem>>)
    %dma_start3A_629 = arith.constant 5 : i32
    %dma_start3A_630 = arith.constant 1 : i32
    %dma_start3A_631 = arith.constant 5 : i32
    %dma_start3A_632 = arith.constant 5 : i32
    %dma_start3A_633 = arith.constant 128 : i32
    %dma_start3A_634 = arith.constant 0 : i32
    %dma_start3A_635 = tpu.memref_slice %arg6[%dma_start3A_631, %dma_start3A_633, %dma_start3A_634] : memref<7x512x32xf32, #tpu.memory_space<vmem>> -> memref<1x128x32xf32, #tpu.memory_space<vmem>>
    %dma_start3A_636 = tpu.memref_squeeze %dma_start3A_635 : memref<1x128x32xf32, #tpu.memory_space<vmem>> -> memref<128x32xf32, #tpu.memory_space<vmem>>
    %dma_start3A_637 = arith.constant 0 : i32
    %dma_start3A_638 = tpu.memref_slice %arg5[%dma_start3A_629, %dma_start3A_630, %dma_start3A_637] : memref<7x4x128xi32, #tpu.memory_space<vmem>> -> memref<1x1x128xi32, #tpu.memory_space<vmem>>
    %dma_start3A_639 = tpu.memref_squeeze %dma_start3A_638 : memref<1x1x128xi32, #tpu.memory_space<vmem>> -> memref<128xi32, #tpu.memory_space<vmem>>
    %dma_start3A_640 = arith.constant 0 : i32
    %dma_start3A_641 = arith.constant 0 : i32
    %dma_start3A_642 = tpu.memref_slice %arg3[%dma_start3A_640, %dma_start3A_641] : memref<1000000x32xf32, #tpu.memory_space<hbm>> -> memref<1000000x32xf32, #tpu.memory_space<hbm>>
    %dma_start3A_643 = tpu.memref_slice %arg8[%dma_start3A_632] : memref<7x!tpu.dma_semaphore, #tpu.memory_space<semaphore_mem>> -> memref<1x!tpu.dma_semaphore, #tpu.memory_space<semaphore_mem>>
    %dma_start3A_644 = tpu.memref_squeeze %dma_start3A_643 : memref<1x!tpu.dma_semaphore, #tpu.memory_space<semaphore_mem>> -> memref<!tpu.dma_semaphore, #tpu.memory_space<semaphore_mem>>
    tpu.enqueue_indirect_dma source(%dma_start3A_642 : memref<1000000x32xf32, #tpu.memory_space<hbm>>) target(%dma_start3A_636 : memref<128x32xf32, #tpu.memory_space<vmem>>) offsets(%dma_start3A_639 : memref<128xi32, #tpu.memory_space<vmem>>) semaphore(%dma_start3A_644 : memref<!tpu.dma_semaphore, #tpu.memory_space<semaphore_mem>>)
    %dma_start3A_645 = arith.constant 5 : i32
    %dma_start3A_646 = arith.constant 2 : i32
    %dma_start3A_647 = arith.constant 5 : i32
    %dma_start3A_648 = arith.constant 5 : i32
    %dma_start3A_649 = arith.constant 256 : i32
    %dma_start3A_650 = arith.constant 0 : i32
    %dma_start3A_651 = tpu.memref_slice %arg6[%dma_start3A_647, %dma_start3A_649, %dma_start3A_650] : memref<7x512x32xf32, #tpu.memory_space<vmem>> -> memref<1x128x32xf32, #tpu.memory_space<vmem>>
    %dma_start3A_652 = tpu.memref_squeeze %dma_start3A_651 : memref<1x128x32xf32, #tpu.memory_space<vmem>> -> memref<128x32xf32, #tpu.memory_space<vmem>>
    %dma_start3A_653 = arith.constant 0 : i32
    %dma_start3A_654 = tpu.memref_slice %arg5[%dma_start3A_645, %dma_start3A_646, %dma_start3A_653] : memref<7x4x128xi32, #tpu.memory_space<vmem>> -> memref<1x1x128xi32, #tpu.memory_space<vmem>>
    %dma_start3A_655 = tpu.memref_squeeze %dma_start3A_654 : memref<1x1x128xi32, #tpu.memory_space<vmem>> -> memref<128xi32, #tpu.memory_space<vmem>>
    %dma_start3A_656 = arith.constant 0 : i32
    %dma_start3A_657 = arith.constant 0 : i32
    %dma_start3A_658 = tpu.memref_slice %arg3[%dma_start3A_656, %dma_start3A_657] : memref<1000000x32xf32, #tpu.memory_space<hbm>> -> memref<1000000x32xf32, #tpu.memory_space<hbm>>
    %dma_start3A_659 = tpu.memref_slice %arg8[%dma_start3A_648] : memref<7x!tpu.dma_semaphore, #tpu.memory_space<semaphore_mem>> -> memref<1x!tpu.dma_semaphore, #tpu.memory_space<semaphore_mem>>
    %dma_start3A_660 = tpu.memref_squeeze %dma_start3A_659 : memref<1x!tpu.dma_semaphore, #tpu.memory_space<semaphore_mem>> -> memref<!tpu.dma_semaphore, #tpu.memory_space<semaphore_mem>>
    tpu.enqueue_indirect_dma source(%dma_start3A_658 : memref<1000000x32xf32, #tpu.memory_space<hbm>>) target(%dma_start3A_652 : memref<128x32xf32, #tpu.memory_space<vmem>>) offsets(%dma_start3A_655 : memref<128xi32, #tpu.memory_space<vmem>>) semaphore(%dma_start3A_660 : memref<!tpu.dma_semaphore, #tpu.memory_space<semaphore_mem>>)
    %dma_start3A_661 = arith.constant 5 : i32
    %dma_start3A_662 = arith.constant 3 : i32
    %dma_start3A_663 = arith.constant 5 : i32
    %dma_start3A_664 = arith.constant 5 : i32
    %dma_start3A_665 = arith.constant 384 : i32
    %dma_start3A_666 = arith.constant 0 : i32
    %dma_start3A_667 = tpu.memref_slice %arg6[%dma_start3A_663, %dma_start3A_665, %dma_start3A_666] : memref<7x512x32xf32, #tpu.memory_space<vmem>> -> memref<1x128x32xf32, #tpu.memory_space<vmem>>
    %dma_start3A_668 = tpu.memref_squeeze %dma_start3A_667 : memref<1x128x32xf32, #tpu.memory_space<vmem>> -> memref<128x32xf32, #tpu.memory_space<vmem>>
    %dma_start3A_669 = arith.constant 0 : i32
    %dma_start3A_670 = tpu.memref_slice %arg5[%dma_start3A_661, %dma_start3A_662, %dma_start3A_669] : memref<7x4x128xi32, #tpu.memory_space<vmem>> -> memref<1x1x128xi32, #tpu.memory_space<vmem>>
    %dma_start3A_671 = tpu.memref_squeeze %dma_start3A_670 : memref<1x1x128xi32, #tpu.memory_space<vmem>> -> memref<128xi32, #tpu.memory_space<vmem>>
    %dma_start3A_672 = arith.constant 0 : i32
    %dma_start3A_673 = arith.constant 0 : i32
    %dma_start3A_674 = tpu.memref_slice %arg3[%dma_start3A_672, %dma_start3A_673] : memref<1000000x32xf32, #tpu.memory_space<hbm>> -> memref<1000000x32xf32, #tpu.memory_space<hbm>>
    %dma_start3A_675 = tpu.memref_slice %arg8[%dma_start3A_664] : memref<7x!tpu.dma_semaphore, #tpu.memory_space<semaphore_mem>> -> memref<1x!tpu.dma_semaphore, #tpu.memory_space<semaphore_mem>>
    %dma_start3A_676 = tpu.memref_squeeze %dma_start3A_675 : memref<1x!tpu.dma_semaphore, #tpu.memory_space<semaphore_mem>> -> memref<!tpu.dma_semaphore, #tpu.memory_space<semaphore_mem>>
    tpu.enqueue_indirect_dma source(%dma_start3A_674 : memref<1000000x32xf32, #tpu.memory_space<hbm>>) target(%dma_start3A_668 : memref<128x32xf32, #tpu.memory_space<vmem>>) offsets(%dma_start3A_671 : memref<128xi32, #tpu.memory_space<vmem>>) semaphore(%dma_start3A_676 : memref<!tpu.dma_semaphore, #tpu.memory_space<semaphore_mem>>)
    %scan3A = arith.constant 0 : i32
    %scan3A_677 = arith.constant 6 : i32
    %scan3A_678 = arith.constant 194 : i32
    %scan3A_679 = arith.addi %scan3A_677, %scan3A_678 : i32
    %scan3A_680 = arith.constant 1 : i32
    scf.for %scan3A_1048 = %scan3A_677 to %scan3A_679 step %scan3A_680  : i32 {
      %jit3A = arith.constant 7 : i32
      %eq3A = arith.constant 0 : i32
      %eq3A_1049 = arith.cmpi eq, %jit3A, %eq3A : i32
      %jit3A_1050 = arith.constant 1 : i32
      %select_n3A = arith.select %eq3A_1049, %jit3A_1050, %jit3A : i32
      %rem3A = arith.remsi %scan3A_1048, %select_n3A : i32
      %ne3A = arith.constant 0 : i32
      %ne3A_1051 = arith.cmpi ne, %rem3A, %ne3A : i32
      %lt3A = arith.constant 0 : i32
      %lt3A_1052 = arith.cmpi slt, %rem3A, %lt3A : i32
      %lt3A_1053 = arith.constant 0 : i32
      %lt3A_1054 = arith.cmpi slt, %select_n3A, %lt3A_1053 : i32
      %ne3A_1055 = arith.xori %lt3A_1052, %lt3A_1054 : i1
      %and3A = arith.andi %ne3A_1055, %ne3A_1051 : i1
      %add3A_1056 = arith.addi %rem3A, %select_n3A : i32
      %select_n3A_1057 = arith.select %and3A, %add3A_1056, %rem3A : i32
      %ge3A = arith.constant 7 : i32
      %ge3A_1058 = arith.cmpi sge, %scan3A_1048, %ge3A : i32
      %convert_element_type3A = arith.extui %ge3A_1058 : i1 to i32
      %cond3A = arith.constant 0 : i32
      %cond3A_1059 = arith.cmpi ne, %convert_element_type3A, %cond3A : i32
      scf.if %cond3A_1059 {
        %dma_wait3A_1206 = arith.constant 0 : i32
        %dma_wait3A_1207 = arith.constant 0 : i32
        %dma_wait3A_1208 = tpu.memref_slice %arg6[%select_n3A_1057, %dma_wait3A_1206, %dma_wait3A_1207] : memref<7x512x32xf32, #tpu.memory_space<vmem>> -> memref<1x512x32xf32, #tpu.memory_space<vmem>>
        %dma_wait3A_1209 = tpu.memref_squeeze %dma_wait3A_1208 : memref<1x512x32xf32, #tpu.memory_space<vmem>> -> memref<512x32xf32, #tpu.memory_space<vmem>>
        %dma_wait3A_1210 = arith.constant 0 : i32
        %dma_wait3A_1211 = arith.constant 0 : i32
        %dma_wait3A_1212 = tpu.memref_slice %arg4[%dma_wait3A_1210, %dma_wait3A_1211] : memref<3276800x32xf32, #tpu.memory_space<hbm>> -> memref<512x32xf32, #tpu.memory_space<hbm>>
        %dma_wait3A_1213 = tpu.memref_slice %arg9[%select_n3A_1057] : memref<7x!tpu.dma_semaphore, #tpu.memory_space<semaphore_mem>> -> memref<1x!tpu.dma_semaphore, #tpu.memory_space<semaphore_mem>>
        %dma_wait3A_1214 = tpu.memref_squeeze %dma_wait3A_1213 : memref<1x!tpu.dma_semaphore, #tpu.memory_space<semaphore_mem>> -> memref<!tpu.dma_semaphore, #tpu.memory_space<semaphore_mem>>
        %dma_wait3A_1215 = arith.constant 0 : i32
        %dma_wait3A_1216 = arith.constant 0 : i32
        %dma_wait3A_1217 = tpu.memref_slice %arg4[%dma_wait3A_1215, %dma_wait3A_1216] : memref<3276800x32xf32, #tpu.memory_space<hbm>> -> memref<512x32xf32, #tpu.memory_space<hbm>>
        %dma_wait3A_1218 = arith.constant 0 : i32
        %dma_wait3A_1219 = arith.constant 0 : i32
        %dma_wait3A_1220 = tpu.memref_slice %arg6[%select_n3A_1057, %dma_wait3A_1218, %dma_wait3A_1219] : memref<7x512x32xf32, #tpu.memory_space<vmem>> -> memref<1x512x32xf32, #tpu.memory_space<vmem>>
        %dma_wait3A_1221 = tpu.memref_squeeze %dma_wait3A_1220 : memref<1x512x32xf32, #tpu.memory_space<vmem>> -> memref<512x32xf32, #tpu.memory_space<vmem>>
        tpu.wait_dma2 semaphore(%dma_wait3A_1214 : memref<!tpu.dma_semaphore, #tpu.memory_space<semaphore_mem>>) src(%dma_wait3A_1221 : memref<512x32xf32, #tpu.memory_space<vmem>>) dst(%dma_wait3A_1217 : memref<512x32xf32, #tpu.memory_space<hbm>>)
      } else {
      }
      %jit3A_1060 = arith.constant 7 : i32
      %eq3A_1061 = arith.constant 0 : i32
      %eq3A_1062 = arith.cmpi eq, %jit3A_1060, %eq3A_1061 : i32
      %jit3A_1063 = arith.constant 1 : i32
      %select_n3A_1064 = arith.select %eq3A_1062, %jit3A_1063, %jit3A_1060 : i32
      %rem3A_1065 = arith.remsi %scan3A_1048, %select_n3A_1064 : i32
      %ne3A_1066 = arith.constant 0 : i32
      %ne3A_1067 = arith.cmpi ne, %rem3A_1065, %ne3A_1066 : i32
      %lt3A_1068 = arith.constant 0 : i32
      %lt3A_1069 = arith.cmpi slt, %rem3A_1065, %lt3A_1068 : i32
      %lt3A_1070 = arith.constant 0 : i32
      %lt3A_1071 = arith.cmpi slt, %select_n3A_1064, %lt3A_1070 : i32
      %ne3A_1072 = arith.xori %lt3A_1069, %lt3A_1071 : i1
      %and3A_1073 = arith.andi %ne3A_1072, %ne3A_1067 : i1
      %add3A_1074 = arith.addi %rem3A_1065, %select_n3A_1064 : i32
      %select_n3A_1075 = arith.select %and3A_1073, %add3A_1074, %rem3A_1065 : i32
      %dma_wait3A_1076 = arith.constant 0 : i32
      %dma_wait3A_1077 = arith.constant 0 : i32
      %dma_wait3A_1078 = arith.constant 0 : i32
      %dma_wait3A_1079 = tpu.memref_slice %arg5[%select_n3A_1075, %dma_wait3A_1077, %dma_wait3A_1078] : memref<7x4x128xi32, #tpu.memory_space<vmem>> -> memref<1x4x128xi32, #tpu.memory_space<vmem>>
      %dma_wait3A_1080 = tpu.memref_squeeze %dma_wait3A_1079 : memref<1x4x128xi32, #tpu.memory_space<vmem>> -> memref<4x128xi32, #tpu.memory_space<vmem>>
      %dma_wait3A_1081 = arith.constant 0 : i32
      %dma_wait3A_1082 = arith.constant 0 : i32
      %dma_wait3A_1083 = tpu.memref_slice %arg2[%dma_wait3A_1076, %dma_wait3A_1081, %dma_wait3A_1082] : memref<6400x4x128xi32, #tpu.memory_space<hbm>> -> memref<1x4x128xi32, #tpu.memory_space<hbm>>
      %dma_wait3A_1084 = tpu.memref_squeeze %dma_wait3A_1083 : memref<1x4x128xi32, #tpu.memory_space<hbm>> -> memref<4x128xi32, #tpu.memory_space<hbm>>
      %dma_wait3A_1085 = tpu.memref_slice %arg7[%select_n3A_1075] : memref<7x!tpu.dma_semaphore, #tpu.memory_space<semaphore_mem>> -> memref<1x!tpu.dma_semaphore, #tpu.memory_space<semaphore_mem>>
      %dma_wait3A_1086 = tpu.memref_squeeze %dma_wait3A_1085 : memref<1x!tpu.dma_semaphore, #tpu.memory_space<semaphore_mem>> -> memref<!tpu.dma_semaphore, #tpu.memory_space<semaphore_mem>>
      %dma_wait3A_1087 = arith.constant 0 : i32
      %dma_wait3A_1088 = arith.constant 0 : i32
      %dma_wait3A_1089 = tpu.memref_slice %arg5[%select_n3A_1075, %dma_wait3A_1087, %dma_wait3A_1088] : memref<7x4x128xi32, #tpu.memory_space<vmem>> -> memref<1x4x128xi32, #tpu.memory_space<vmem>>
      %dma_wait3A_1090 = tpu.memref_squeeze %dma_wait3A_1089 : memref<1x4x128xi32, #tpu.memory_space<vmem>> -> memref<4x128xi32, #tpu.memory_space<vmem>>
      %dma_wait3A_1091 = arith.constant 0 : i32
      %dma_wait3A_1092 = arith.constant 0 : i32
      %dma_wait3A_1093 = tpu.memref_slice %arg2[%dma_wait3A_1076, %dma_wait3A_1091, %dma_wait3A_1092] : memref<6400x4x128xi32, #tpu.memory_space<hbm>> -> memref<1x4x128xi32, #tpu.memory_space<hbm>>
      %dma_wait3A_1094 = tpu.memref_squeeze %dma_wait3A_1093 : memref<1x4x128xi32, #tpu.memory_space<hbm>> -> memref<4x128xi32, #tpu.memory_space<hbm>>
      tpu.wait_dma2 semaphore(%dma_wait3A_1086 : memref<!tpu.dma_semaphore, #tpu.memory_space<semaphore_mem>>) src(%dma_wait3A_1094 : memref<4x128xi32, #tpu.memory_space<hbm>>) dst(%dma_wait3A_1090 : memref<4x128xi32, #tpu.memory_space<vmem>>)
      %dma_start3A_1095 = arith.constant 0 : i32
      %dma_start3A_1096 = arith.constant 0 : i32
      %dma_start3A_1097 = arith.constant 0 : i32
      %dma_start3A_1098 = tpu.memref_slice %arg6[%select_n3A_1075, %dma_start3A_1096, %dma_start3A_1097] : memref<7x512x32xf32, #tpu.memory_space<vmem>> -> memref<1x128x32xf32, #tpu.memory_space<vmem>>
      %dma_start3A_1099 = tpu.memref_squeeze %dma_start3A_1098 : memref<1x128x32xf32, #tpu.memory_space<vmem>> -> memref<128x32xf32, #tpu.memory_space<vmem>>
      %dma_start3A_1100 = arith.constant 0 : i32
      %dma_start3A_1101 = tpu.memref_slice %arg5[%select_n3A_1075, %dma_start3A_1095, %dma_start3A_1100] : memref<7x4x128xi32, #tpu.memory_space<vmem>> -> memref<1x1x128xi32, #tpu.memory_space<vmem>>
      %dma_start3A_1102 = tpu.memref_squeeze %dma_start3A_1101 : memref<1x1x128xi32, #tpu.memory_space<vmem>> -> memref<128xi32, #tpu.memory_space<vmem>>
      %dma_start3A_1103 = arith.constant 0 : i32
      %dma_start3A_1104 = arith.constant 0 : i32
      %dma_start3A_1105 = tpu.memref_slice %arg3[%dma_start3A_1103, %dma_start3A_1104] : memref<1000000x32xf32, #tpu.memory_space<hbm>> -> memref<1000000x32xf32, #tpu.memory_space<hbm>>
      %dma_start3A_1106 = tpu.memref_slice %arg8[%select_n3A_1075] : memref<7x!tpu.dma_semaphore, #tpu.memory_space<semaphore_mem>> -> memref<1x!tpu.dma_semaphore, #tpu.memory_space<semaphore_mem>>
      %dma_start3A_1107 = tpu.memref_squeeze %dma_start3A_1106 : memref<1x!tpu.dma_semaphore, #tpu.memory_space<semaphore_mem>> -> memref<!tpu.dma_semaphore, #tpu.memory_space<semaphore_mem>>
      tpu.enqueue_indirect_dma source(%dma_start3A_1105 : memref<1000000x32xf32, #tpu.memory_space<hbm>>) target(%dma_start3A_1099 : memref<128x32xf32, #tpu.memory_space<vmem>>) offsets(%dma_start3A_1102 : memref<128xi32, #tpu.memory_space<vmem>>) semaphore(%dma_start3A_1107 : memref<!tpu.dma_semaphore, #tpu.memory_space<semaphore_mem>>)
      %dma_start3A_1108 = arith.constant 1 : i32
      %dma_start3A_1109 = arith.constant 128 : i32
      %dma_start3A_1110 = arith.constant 0 : i32
      %dma_start3A_1111 = tpu.memref_slice %arg6[%select_n3A_1075, %dma_start3A_1109, %dma_start3A_1110] : memref<7x512x32xf32, #tpu.memory_space<vmem>> -> memref<1x128x32xf32, #tpu.memory_space<vmem>>
      %dma_start3A_1112 = tpu.memref_squeeze %dma_start3A_1111 : memref<1x128x32xf32, #tpu.memory_space<vmem>> -> memref<128x32xf32, #tpu.memory_space<vmem>>
      %dma_start3A_1113 = arith.constant 0 : i32
      %dma_start3A_1114 = tpu.memref_slice %arg5[%select_n3A_1075, %dma_start3A_1108, %dma_start3A_1113] : memref<7x4x128xi32, #tpu.memory_space<vmem>> -> memref<1x1x128xi32, #tpu.memory_space<vmem>>
      %dma_start3A_1115 = tpu.memref_squeeze %dma_start3A_1114 : memref<1x1x128xi32, #tpu.memory_space<vmem>> -> memref<128xi32, #tpu.memory_space<vmem>>
      %dma_start3A_1116 = arith.constant 0 : i32
      %dma_start3A_1117 = arith.constant 0 : i32
      %dma_start3A_1118 = tpu.memref_slice %arg3[%dma_start3A_1116, %dma_start3A_1117] : memref<1000000x32xf32, #tpu.memory_space<hbm>> -> memref<1000000x32xf32, #tpu.memory_space<hbm>>
      %dma_start3A_1119 = tpu.memref_slice %arg8[%select_n3A_1075] : memref<7x!tpu.dma_semaphore, #tpu.memory_space<semaphore_mem>> -> memref<1x!tpu.dma_semaphore, #tpu.memory_space<semaphore_mem>>
      %dma_start3A_1120 = tpu.memref_squeeze %dma_start3A_1119 : memref<1x!tpu.dma_semaphore, #tpu.memory_space<semaphore_mem>> -> memref<!tpu.dma_semaphore, #tpu.memory_space<semaphore_mem>>
      tpu.enqueue_indirect_dma source(%dma_start3A_1118 : memref<1000000x32xf32, #tpu.memory_space<hbm>>) target(%dma_start3A_1112 : memref<128x32xf32, #tpu.memory_space<vmem>>) offsets(%dma_start3A_1115 : memref<128xi32, #tpu.memory_space<vmem>>) semaphore(%dma_start3A_1120 : memref<!tpu.dma_semaphore, #tpu.memory_space<semaphore_mem>>)
      %dma_start3A_1121 = arith.constant 2 : i32
      %dma_start3A_1122 = arith.constant 256 : i32
      %dma_start3A_1123 = arith.constant 0 : i32
      %dma_start3A_1124 = tpu.memref_slice %arg6[%select_n3A_1075, %dma_start3A_1122, %dma_start3A_1123] : memref<7x512x32xf32, #tpu.memory_space<vmem>> -> memref<1x128x32xf32, #tpu.memory_space<vmem>>
      %dma_start3A_1125 = tpu.memref_squeeze %dma_start3A_1124 : memref<1x128x32xf32, #tpu.memory_space<vmem>> -> memref<128x32xf32, #tpu.memory_space<vmem>>
      %dma_start3A_1126 = arith.constant 0 : i32
      %dma_start3A_1127 = tpu.memref_slice %arg5[%select_n3A_1075, %dma_start3A_1121, %dma_start3A_1126] : memref<7x4x128xi32, #tpu.memory_space<vmem>> -> memref<1x1x128xi32, #tpu.memory_space<vmem>>
      %dma_start3A_1128 = tpu.memref_squeeze %dma_start3A_1127 : memref<1x1x128xi32, #tpu.memory_space<vmem>> -> memref<128xi32, #tpu.memory_space<vmem>>
      %dma_start3A_1129 = arith.constant 0 : i32
      %dma_start3A_1130 = arith.constant 0 : i32
      %dma_start3A_1131 = tpu.memref_slice %arg3[%dma_start3A_1129, %dma_start3A_1130] : memref<1000000x32xf32, #tpu.memory_space<hbm>> -> memref<1000000x32xf32, #tpu.memory_space<hbm>>
      %dma_start3A_1132 = tpu.memref_slice %arg8[%select_n3A_1075] : memref<7x!tpu.dma_semaphore, #tpu.memory_space<semaphore_mem>> -> memref<1x!tpu.dma_semaphore, #tpu.memory_space<semaphore_mem>>
      %dma_start3A_1133 = tpu.memref_squeeze %dma_start3A_1132 : memref<1x!tpu.dma_semaphore, #tpu.memory_space<semaphore_mem>> -> memref<!tpu.dma_semaphore, #tpu.memory_space<semaphore_mem>>
      tpu.enqueue_indirect_dma source(%dma_start3A_1131 : memref<1000000x32xf32, #tpu.memory_space<hbm>>) target(%dma_start3A_1125 : memref<128x32xf32, #tpu.memory_space<vmem>>) offsets(%dma_start3A_1128 : memref<128xi32, #tpu.memory_space<vmem>>) semaphore(%dma_start3A_1133 : memref<!tpu.dma_semaphore, #tpu.memory_space<semaphore_mem>>)
      %dma_start3A_1134 = arith.constant 3 : i32
      %dma_start3A_1135 = arith.constant 384 : i32
      %dma_start3A_1136 = arith.constant 0 : i32
      %dma_start3A_1137 = tpu.memref_slice %arg6[%select_n3A_1075, %dma_start3A_1135, %dma_start3A_1136] : memref<7x512x32xf32, #tpu.memory_space<vmem>> -> memref<1x128x32xf32, #tpu.memory_space<vmem>>
      %dma_start3A_1138 = tpu.memref_squeeze %dma_start3A_1137 : memref<1x128x32xf32, #tpu.memory_space<vmem>> -> memref<128x32xf32, #tpu.memory_space<vmem>>
      %dma_start3A_1139 = arith.constant 0 : i32
      %dma_start3A_1140 = tpu.memref_slice %arg5[%select_n3A_1075, %dma_start3A_1134, %dma_start3A_1139] : memref<7x4x128xi32, #tpu.memory_space<vmem>> -> memref<1x1x128xi32, #tpu.memory_space<vmem>>
      %dma_start3A_1141 = tpu.memref_squeeze %dma_start3A_1140 : memref<1x1x128xi32, #tpu.memory_space<vmem>> -> memref<128xi32, #tpu.memory_space<vmem>>
      %dma_start3A_1142 = arith.constant 0 : i32
      %dma_start3A_1143 = arith.constant 0 : i32
      %dma_start3A_1144 = tpu.memref_slice %arg3[%dma_start3A_1142, %dma_start3A_1143] : memref<1000000x32xf32, #tpu.memory_space<hbm>> -> memref<1000000x32xf32, #tpu.memory_space<hbm>>
      %dma_start3A_1145 = tpu.memref_slice %arg8[%select_n3A_1075] : memref<7x!tpu.dma_semaphore, #tpu.memory_space<semaphore_mem>> -> memref<1x!tpu.dma_semaphore, #tpu.memory_space<semaphore_mem>>
      %dma_start3A_1146 = tpu.memref_squeeze %dma_start3A_1145 : memref<1x!tpu.dma_semaphore, #tpu.memory_space<semaphore_mem>> -> memref<!tpu.dma_semaphore, #tpu.memory_space<semaphore_mem>>
      tpu.enqueue_indirect_dma source(%dma_start3A_1144 : memref<1000000x32xf32, #tpu.memory_space<hbm>>) target(%dma_start3A_1138 : memref<128x32xf32, #tpu.memory_space<vmem>>) offsets(%dma_start3A_1141 : memref<128xi32, #tpu.memory_space<vmem>>) semaphore(%dma_start3A_1146 : memref<!tpu.dma_semaphore, #tpu.memory_space<semaphore_mem>>)
      %sub3A = arith.constant 6 : i32
      %sub3A_1147 = arith.subi %scan3A_1048, %sub3A : i32
      %jit3A_1148 = arith.constant 7 : i32
      %eq3A_1149 = arith.constant 0 : i32
      %eq3A_1150 = arith.cmpi eq, %jit3A_1148, %eq3A_1149 : i32
      %jit3A_1151 = arith.constant 1 : i32
      %select_n3A_1152 = arith.select %eq3A_1150, %jit3A_1151, %jit3A_1148 : i32
      %rem3A_1153 = arith.remsi %sub3A_1147, %select_n3A_1152 : i32
      %ne3A_1154 = arith.constant 0 : i32
      %ne3A_1155 = arith.cmpi ne, %rem3A_1153, %ne3A_1154 : i32
      %lt3A_1156 = arith.constant 0 : i32
      %lt3A_1157 = arith.cmpi slt, %rem3A_1153, %lt3A_1156 : i32
      %lt3A_1158 = arith.constant 0 : i32
      %lt3A_1159 = arith.cmpi slt, %select_n3A_1152, %lt3A_1158 : i32
      %ne3A_1160 = arith.xori %lt3A_1157, %lt3A_1159 : i1
      %and3A_1161 = arith.andi %ne3A_1160, %ne3A_1155 : i1
      %add3A_1162 = arith.addi %rem3A_1153, %select_n3A_1152 : i32
      %select_n3A_1163 = arith.select %and3A_1161, %add3A_1162, %rem3A_1153 : i32
      %dma_wait3A_1164 = arith.constant 0 : i32
      %dma_wait3A_1165 = arith.constant 0 : i32
      %dma_wait3A_1166 = tpu.memref_slice %arg6[%select_n3A_1163, %dma_wait3A_1164, %dma_wait3A_1165] : memref<7x512x32xf32, #tpu.memory_space<vmem>> -> memref<1x512x32xf32, #tpu.memory_space<vmem>>
      %dma_wait3A_1167 = tpu.memref_squeeze %dma_wait3A_1166 : memref<1x512x32xf32, #tpu.memory_space<vmem>> -> memref<512x32xf32, #tpu.memory_space<vmem>>
      %dma_wait3A_1168 = arith.constant 0 : i32
      %dma_wait3A_1169 = arith.constant 0 : i32
      %dma_wait3A_1170 = tpu.memref_slice %arg4[%dma_wait3A_1168, %dma_wait3A_1169] : memref<3276800x32xf32, #tpu.memory_space<hbm>> -> memref<512x32xf32, #tpu.memory_space<hbm>>
      %dma_wait3A_1171 = tpu.memref_slice %arg8[%select_n3A_1163] : memref<7x!tpu.dma_semaphore, #tpu.memory_space<semaphore_mem>> -> memref<1x!tpu.dma_semaphore, #tpu.memory_space<semaphore_mem>>
      %dma_wait3A_1172 = tpu.memref_squeeze %dma_wait3A_1171 : memref<1x!tpu.dma_semaphore, #tpu.memory_space<semaphore_mem>> -> memref<!tpu.dma_semaphore, #tpu.memory_space<semaphore_mem>>
      %dma_wait3A_1173 = arith.constant 0 : i32
      %dma_wait3A_1174 = arith.constant 0 : i32
      %dma_wait3A_1175 = tpu.memref_slice %arg6[%select_n3A_1163, %dma_wait3A_1173, %dma_wait3A_1174] : memref<7x512x32xf32, #tpu.memory_space<vmem>> -> memref<1x512x32xf32, #tpu.memory_space<vmem>>
      %dma_wait3A_1176 = tpu.memref_squeeze %dma_wait3A_1175 : memref<1x512x32xf32, #tpu.memory_space<vmem>> -> memref<512x32xf32, #tpu.memory_space<vmem>>
      %dma_wait3A_1177 = arith.constant 0 : i32
      %dma_wait3A_1178 = arith.constant 0 : i32
      %dma_wait3A_1179 = tpu.memref_slice %arg4[%dma_wait3A_1177, %dma_wait3A_1178] : memref<3276800x32xf32, #tpu.memory_space<hbm>> -> memref<512x32xf32, #tpu.memory_space<hbm>>
      tpu.wait_dma2 semaphore(%dma_wait3A_1172 : memref<!tpu.dma_semaphore, #tpu.memory_space<semaphore_mem>>) src(%dma_wait3A_1179 : memref<512x32xf32, #tpu.memory_space<hbm>>) dst(%dma_wait3A_1176 : memref<512x32xf32, #tpu.memory_space<vmem>>)
      %mul3A_1180 = arith.constant 200 : i32
      %mul3A_1181 = arith.muli %add3A, %mul3A_1180 : i32
      %add3A_1182 = arith.addi %mul3A_1181, %sub3A_1147 : i32
      %mul3A_1183 = arith.constant 512 : i32
      %mul3A_1184 = arith.muli %add3A_1182, %mul3A_1183 : i32
      %dma_start3A_1185 = arith.constant 0 : i32
      %dma_start3A_1186 = arith.constant 0 : i32
      %dma_start3A_1187 = tpu.memref_slice %arg6[%select_n3A_1163, %dma_start3A_1185, %dma_start3A_1186] : memref<7x512x32xf32, #tpu.memory_space<vmem>> -> memref<1x512x32xf32, #tpu.memory_space<vmem>>
      %dma_start3A_1188 = tpu.memref_squeeze %dma_start3A_1187 : memref<1x512x32xf32, #tpu.memory_space<vmem>> -> memref<512x32xf32, #tpu.memory_space<vmem>>
      %dma_start3A_1189 = arith.constant 0 : i32
      %dma_start3A_1190 = tpu.memref_slice %arg4[%mul3A_1184, %dma_start3A_1189] : memref<3276800x32xf32, #tpu.memory_space<hbm>> -> memref<512x32xf32, #tpu.memory_space<hbm>>
      %dma_start3A_1191 = tpu.memref_slice %arg9[%select_n3A_1163] : memref<7x!tpu.dma_semaphore, #tpu.memory_space<semaphore_mem>> -> memref<1x!tpu.dma_semaphore, #tpu.memory_space<semaphore_mem>>
      %dma_start3A_1192 = tpu.memref_squeeze %dma_start3A_1191 : memref<1x!tpu.dma_semaphore, #tpu.memory_space<semaphore_mem>> -> memref<!tpu.dma_semaphore, #tpu.memory_space<semaphore_mem>>
      %dma_start3A_1193 = arith.constant 0 : i32
      %dma_start3A_1194 = tpu.memref_slice %arg4[%mul3A_1184, %dma_start3A_1193] : memref<3276800x32xf32, #tpu.memory_space<hbm>> -> memref<512x32xf32, #tpu.memory_space<hbm>>
      %dma_start3A_1195 = arith.constant 0 : i32
      %dma_start3A_1196 = arith.constant 0 : i32
      %dma_start3A_1197 = tpu.memref_slice %arg6[%select_n3A_1163, %dma_start3A_1195, %dma_start3A_1196] : memref<7x512x32xf32, #tpu.memory_space<vmem>> -> memref<1x512x32xf32, #tpu.memory_space<vmem>>
      %dma_start3A_1198 = tpu.memref_squeeze %dma_start3A_1197 : memref<1x512x32xf32, #tpu.memory_space<vmem>> -> memref<512x32xf32, #tpu.memory_space<vmem>>
      tpu.enqueue_dma source(%dma_start3A_1198 : memref<512x32xf32, #tpu.memory_space<vmem>>) target(%dma_start3A_1194 : memref<512x32xf32, #tpu.memory_space<hbm>>) target_semaphore(%dma_start3A_1192 : memref<!tpu.dma_semaphore, #tpu.memory_space<semaphore_mem>>)
      %add3A_1199 = arith.constant 1 : i32
      %add3A_1200 = arith.addi %scan3A_1048, %add3A_1199 : i32
      %lt3A_1201 = arith.constant 200 : i32
      %lt3A_1202 = arith.cmpi slt, %add3A_1200, %lt3A_1201 : i32
      %convert_element_type3A_1203 = arith.extui %lt3A_1202 : i1 to i32
      %cond3A_1204 = arith.constant 0 : i32
      %cond3A_1205 = arith.cmpi ne, %convert_element_type3A_1203, %cond3A_1204 : i32
      scf.if %cond3A_1205 {
        %add3A_1206 = arith.constant 7 : i32
        %add3A_1207 = arith.addi %sub3A_1147, %add3A_1206 : i32
        %jit3A_1208 = arith.constant 7 : i32
        %eq3A_1209 = arith.constant 0 : i32
        %eq3A_1210 = arith.cmpi eq, %jit3A_1208, %eq3A_1209 : i32
        %jit3A_1211 = arith.constant 1 : i32
        %select_n3A_1212 = arith.select %eq3A_1210, %jit3A_1211, %jit3A_1208 : i32
        %rem3A_1213 = arith.remsi %add3A_1207, %select_n3A_1212 : i32
        %ne3A_1214 = arith.constant 0 : i32
        %ne3A_1215 = arith.cmpi ne, %rem3A_1213, %ne3A_1214 : i32
        %lt3A_1216 = arith.constant 0 : i32
        %lt3A_1217 = arith.cmpi slt, %rem3A_1213, %lt3A_1216 : i32
        %lt3A_1218 = arith.constant 0 : i32
        %lt3A_1219 = arith.cmpi slt, %select_n3A_1212, %lt3A_1218 : i32
        %ne3A_1220 = arith.xori %lt3A_1217, %lt3A_1219 : i1
        %and3A_1221 = arith.andi %ne3A_1220, %ne3A_1215 : i1
        %add3A_1222 = arith.addi %rem3A_1213, %select_n3A_1212 : i32
        %select_n3A_1223 = arith.select %and3A_1221, %add3A_1222, %rem3A_1213 : i32
        %mul3A_1224 = arith.constant 200 : i32
        %mul3A_1225 = arith.muli %add3A, %mul3A_1224 : i32
        %add3A_1226 = arith.addi %mul3A_1225, %add3A_1207 : i32
        %dma_start3A_1227 = arith.constant 0 : i32
        %dma_start3A_1228 = arith.constant 0 : i32
        %dma_start3A_1229 = tpu.memref_slice %arg5[%select_n3A_1223, %dma_start3A_1227, %dma_start3A_1228] : memref<7x4x128xi32, #tpu.memory_space<vmem>> -> memref<1x4x128xi32, #tpu.memory_space<vmem>>
        %dma_start3A_1230 = tpu.memref_squeeze %dma_start3A_1229 : memref<1x4x128xi32, #tpu.memory_space<vmem>> -> memref<4x128xi32, #tpu.memory_space<vmem>>
        %dma_start3A_1231 = arith.constant 0 : i32
        %dma_start3A_1232 = arith.constant 0 : i32
        %dma_start3A_1233 = tpu.memref_slice %arg2[%add3A_1226, %dma_start3A_1231, %dma_start3A_1232] : memref<6400x4x128xi32, #tpu.memory_space<hbm>> -> memref<1x4x128xi32, #tpu.memory_space<hbm>>
        %dma_start3A_1234 = tpu.memref_squeeze %dma_start3A_1233 : memref<1x4x128xi32, #tpu.memory_space<hbm>> -> memref<4x128xi32, #tpu.memory_space<hbm>>
        %dma_start3A_1235 = tpu.memref_slice %arg7[%select_n3A_1223] : memref<7x!tpu.dma_semaphore, #tpu.memory_space<semaphore_mem>> -> memref<1x!tpu.dma_semaphore, #tpu.memory_space<semaphore_mem>>
        %dma_start3A_1236 = tpu.memref_squeeze %dma_start3A_1235 : memref<1x!tpu.dma_semaphore, #tpu.memory_space<semaphore_mem>> -> memref<!tpu.dma_semaphore, #tpu.memory_space<semaphore_mem>>
        %dma_start3A_1237 = arith.constant 0 : i32
        %dma_start3A_1238 = arith.constant 0 : i32
        %dma_start3A_1239 = tpu.memref_slice %arg5[%select_n3A_1223, %dma_start3A_1237, %dma_start3A_1238] : memref<7x4x128xi32, #tpu.memory_space<vmem>> -> memref<1x4x128xi32, #tpu.memory_space<vmem>>
        %dma_start3A_1240 = tpu.memref_squeeze %dma_start3A_1239 : memref<1x4x128xi32, #tpu.memory_space<vmem>> -> memref<4x128xi32, #tpu.memory_space<vmem>>
        %dma_start3A_1241 = arith.constant 0 : i32
        %dma_start3A_1242 = arith.constant 0 : i32
        %dma_start3A_1243 = tpu.memref_slice %arg2[%add3A_1226, %dma_start3A_1241, %dma_start3A_1242] : memref<6400x4x128xi32, #tpu.memory_space<hbm>> -> memref<1x4x128xi32, #tpu.memory_space<hbm>>
        %dma_start3A_1244 = tpu.memref_squeeze %dma_start3A_1243 : memref<1x4x128xi32, #tpu.memory_space<hbm>> -> memref<4x128xi32, #tpu.memory_space<hbm>>
        tpu.enqueue_dma source(%dma_start3A_1244 : memref<4x128xi32, #tpu.memory_space<hbm>>) target(%dma_start3A_1240 : memref<4x128xi32, #tpu.memory_space<vmem>>) target_semaphore(%dma_start3A_1236 : memref<!tpu.dma_semaphore, #tpu.memory_space<semaphore_mem>>)
      } else {
      }
    }
    %scan3A_681 = arith.constant 194 : i32
    %dma_wait3A_682 = arith.constant 5 : i32
    %dma_wait3A_683 = arith.constant 5 : i32
    %dma_wait3A_684 = arith.constant 0 : i32
    %dma_wait3A_685 = arith.constant 0 : i32
    %dma_wait3A_686 = tpu.memref_slice %arg6[%dma_wait3A_682, %dma_wait3A_684, %dma_wait3A_685] : memref<7x512x32xf32, #tpu.memory_space<vmem>> -> memref<1x512x32xf32, #tpu.memory_space<vmem>>
    %dma_wait3A_687 = tpu.memref_squeeze %dma_wait3A_686 : memref<1x512x32xf32, #tpu.memory_space<vmem>> -> memref<512x32xf32, #tpu.memory_space<vmem>>
    %dma_wait3A_688 = arith.constant 0 : i32
    %dma_wait3A_689 = arith.constant 0 : i32
    %dma_wait3A_690 = tpu.memref_slice %arg4[%dma_wait3A_688, %dma_wait3A_689] : memref<3276800x32xf32, #tpu.memory_space<hbm>> -> memref<512x32xf32, #tpu.memory_space<hbm>>
    %dma_wait3A_691 = tpu.memref_slice %arg8[%dma_wait3A_683] : memref<7x!tpu.dma_semaphore, #tpu.memory_space<semaphore_mem>> -> memref<1x!tpu.dma_semaphore, #tpu.memory_space<semaphore_mem>>
    %dma_wait3A_692 = tpu.memref_squeeze %dma_wait3A_691 : memref<1x!tpu.dma_semaphore, #tpu.memory_space<semaphore_mem>> -> memref<!tpu.dma_semaphore, #tpu.memory_space<semaphore_mem>>
    %dma_wait3A_693 = arith.constant 0 : i32
    %dma_wait3A_694 = arith.constant 0 : i32
    %dma_wait3A_695 = tpu.memref_slice %arg6[%dma_wait3A_682, %dma_wait3A_693, %dma_wait3A_694] : memref<7x512x32xf32, #tpu.memory_space<vmem>> -> memref<1x512x32xf32, #tpu.memory_space<vmem>>
    %dma_wait3A_696 = tpu.memref_squeeze %dma_wait3A_695 : memref<1x512x32xf32, #tpu.memory_space<vmem>> -> memref<512x32xf32, #tpu.memory_space<vmem>>
    %dma_wait3A_697 = arith.constant 0 : i32
    %dma_wait3A_698 = arith.constant 0 : i32
    %dma_wait3A_699 = tpu.memref_slice %arg4[%dma_wait3A_697, %dma_wait3A_698] : memref<3276800x32xf32, #tpu.memory_space<hbm>> -> memref<512x32xf32, #tpu.memory_space<hbm>>
    tpu.wait_dma2 semaphore(%dma_wait3A_692 : memref<!tpu.dma_semaphore, #tpu.memory_space<semaphore_mem>>) src(%dma_wait3A_699 : memref<512x32xf32, #tpu.memory_space<hbm>>) dst(%dma_wait3A_696 : memref<512x32xf32, #tpu.memory_space<vmem>>)
    %mul3A_700 = arith.constant 200 : i32
    %mul3A_701 = arith.muli %add3A, %mul3A_700 : i32
    %add3A_702 = arith.constant 194 : i32
    %add3A_703 = arith.addi %mul3A_701, %add3A_702 : i32
    %mul3A_704 = arith.constant 512 : i32
    %mul3A_705 = arith.muli %add3A_703, %mul3A_704 : i32
    %dma_start3A_706 = arith.constant 5 : i32
    %dma_start3A_707 = arith.constant 5 : i32
    %dma_start3A_708 = arith.constant 0 : i32
    %dma_start3A_709 = arith.constant 0 : i32
    %dma_start3A_710 = tpu.memref_slice %arg6[%dma_start3A_706, %dma_start3A_708, %dma_start3A_709] : memref<7x512x32xf32, #tpu.memory_space<vmem>> -> memref<1x512x32xf32, #tpu.memory_space<vmem>>
    %dma_start3A_711 = tpu.memref_squeeze %dma_start3A_710 : memref<1x512x32xf32, #tpu.memory_space<vmem>> -> memref<512x32xf32, #tpu.memory_space<vmem>>
    %dma_start3A_712 = arith.constant 0 : i32
    %dma_start3A_713 = tpu.memref_slice %arg4[%mul3A_705, %dma_start3A_712] : memref<3276800x32xf32, #tpu.memory_space<hbm>> -> memref<512x32xf32, #tpu.memory_space<hbm>>
    %dma_start3A_714 = tpu.memref_slice %arg9[%dma_start3A_707] : memref<7x!tpu.dma_semaphore, #tpu.memory_space<semaphore_mem>> -> memref<1x!tpu.dma_semaphore, #tpu.memory_space<semaphore_mem>>
    %dma_start3A_715 = tpu.memref_squeeze %dma_start3A_714 : memref<1x!tpu.dma_semaphore, #tpu.memory_space<semaphore_mem>> -> memref<!tpu.dma_semaphore, #tpu.memory_space<semaphore_mem>>
    %dma_start3A_716 = arith.constant 0 : i32
    %dma_start3A_717 = tpu.memref_slice %arg4[%mul3A_705, %dma_start3A_716] : memref<3276800x32xf32, #tpu.memory_space<hbm>> -> memref<512x32xf32, #tpu.memory_space<hbm>>
    %dma_start3A_718 = arith.constant 0 : i32
    %dma_start3A_719 = arith.constant 0 : i32
    %dma_start3A_720 = tpu.memref_slice %arg6[%dma_start3A_706, %dma_start3A_718, %dma_start3A_719] : memref<7x512x32xf32, #tpu.memory_space<vmem>> -> memref<1x512x32xf32, #tpu.memory_space<vmem>>
    %dma_start3A_721 = tpu.memref_squeeze %dma_start3A_720 : memref<1x512x32xf32, #tpu.memory_space<vmem>> -> memref<512x32xf32, #tpu.memory_space<vmem>>
    tpu.enqueue_dma source(%dma_start3A_721 : memref<512x32xf32, #tpu.memory_space<vmem>>) target(%dma_start3A_717 : memref<512x32xf32, #tpu.memory_space<hbm>>) target_semaphore(%dma_start3A_715 : memref<!tpu.dma_semaphore, #tpu.memory_space<semaphore_mem>>)
    %dma_wait3A_722 = arith.constant 6 : i32
    %dma_wait3A_723 = arith.constant 6 : i32
    %dma_wait3A_724 = arith.constant 0 : i32
    %dma_wait3A_725 = arith.constant 0 : i32
    %dma_wait3A_726 = tpu.memref_slice %arg6[%dma_wait3A_722, %dma_wait3A_724, %dma_wait3A_725] : memref<7x512x32xf32, #tpu.memory_space<vmem>> -> memref<1x512x32xf32, #tpu.memory_space<vmem>>
    %dma_wait3A_727 = tpu.memref_squeeze %dma_wait3A_726 : memref<1x512x32xf32, #tpu.memory_space<vmem>> -> memref<512x32xf32, #tpu.memory_space<vmem>>
    %dma_wait3A_728 = arith.constant 0 : i32
    %dma_wait3A_729 = arith.constant 0 : i32
    %dma_wait3A_730 = tpu.memref_slice %arg4[%dma_wait3A_728, %dma_wait3A_729] : memref<3276800x32xf32, #tpu.memory_space<hbm>> -> memref<512x32xf32, #tpu.memory_space<hbm>>
    %dma_wait3A_731 = tpu.memref_slice %arg8[%dma_wait3A_723] : memref<7x!tpu.dma_semaphore, #tpu.memory_space<semaphore_mem>> -> memref<1x!tpu.dma_semaphore, #tpu.memory_space<semaphore_mem>>
    %dma_wait3A_732 = tpu.memref_squeeze %dma_wait3A_731 : memref<1x!tpu.dma_semaphore, #tpu.memory_space<semaphore_mem>> -> memref<!tpu.dma_semaphore, #tpu.memory_space<semaphore_mem>>
    %dma_wait3A_733 = arith.constant 0 : i32
    %dma_wait3A_734 = arith.constant 0 : i32
    %dma_wait3A_735 = tpu.memref_slice %arg6[%dma_wait3A_722, %dma_wait3A_733, %dma_wait3A_734] : memref<7x512x32xf32, #tpu.memory_space<vmem>> -> memref<1x512x32xf32, #tpu.memory_space<vmem>>
    %dma_wait3A_736 = tpu.memref_squeeze %dma_wait3A_735 : memref<1x512x32xf32, #tpu.memory_space<vmem>> -> memref<512x32xf32, #tpu.memory_space<vmem>>
    %dma_wait3A_737 = arith.constant 0 : i32
    %dma_wait3A_738 = arith.constant 0 : i32
    %dma_wait3A_739 = tpu.memref_slice %arg4[%dma_wait3A_737, %dma_wait3A_738] : memref<3276800x32xf32, #tpu.memory_space<hbm>> -> memref<512x32xf32, #tpu.memory_space<hbm>>
    tpu.wait_dma2 semaphore(%dma_wait3A_732 : memref<!tpu.dma_semaphore, #tpu.memory_space<semaphore_mem>>) src(%dma_wait3A_739 : memref<512x32xf32, #tpu.memory_space<hbm>>) dst(%dma_wait3A_736 : memref<512x32xf32, #tpu.memory_space<vmem>>)
    %mul3A_740 = arith.constant 200 : i32
    %mul3A_741 = arith.muli %add3A, %mul3A_740 : i32
    %add3A_742 = arith.constant 195 : i32
    %add3A_743 = arith.addi %mul3A_741, %add3A_742 : i32
    %mul3A_744 = arith.constant 512 : i32
    %mul3A_745 = arith.muli %add3A_743, %mul3A_744 : i32
    %dma_start3A_746 = arith.constant 6 : i32
    %dma_start3A_747 = arith.constant 6 : i32
    %dma_start3A_748 = arith.constant 0 : i32
    %dma_start3A_749 = arith.constant 0 : i32
    %dma_start3A_750 = tpu.memref_slice %arg6[%dma_start3A_746, %dma_start3A_748, %dma_start3A_749] : memref<7x512x32xf32, #tpu.memory_space<vmem>> -> memref<1x512x32xf32, #tpu.memory_space<vmem>>
    %dma_start3A_751 = tpu.memref_squeeze %dma_start3A_750 : memref<1x512x32xf32, #tpu.memory_space<vmem>> -> memref<512x32xf32, #tpu.memory_space<vmem>>
    %dma_start3A_752 = arith.constant 0 : i32
    %dma_start3A_753 = tpu.memref_slice %arg4[%mul3A_745, %dma_start3A_752] : memref<3276800x32xf32, #tpu.memory_space<hbm>> -> memref<512x32xf32, #tpu.memory_space<hbm>>
    %dma_start3A_754 = tpu.memref_slice %arg9[%dma_start3A_747] : memref<7x!tpu.dma_semaphore, #tpu.memory_space<semaphore_mem>> -> memref<1x!tpu.dma_semaphore, #tpu.memory_space<semaphore_mem>>
    %dma_start3A_755 = tpu.memref_squeeze %dma_start3A_754 : memref<1x!tpu.dma_semaphore, #tpu.memory_space<semaphore_mem>> -> memref<!tpu.dma_semaphore, #tpu.memory_space<semaphore_mem>>
    %dma_start3A_756 = arith.constant 0 : i32
    %dma_start3A_757 = tpu.memref_slice %arg4[%mul3A_745, %dma_start3A_756] : memref<3276800x32xf32, #tpu.memory_space<hbm>> -> memref<512x32xf32, #tpu.memory_space<hbm>>
    %dma_start3A_758 = arith.constant 0 : i32
    %dma_start3A_759 = arith.constant 0 : i32
    %dma_start3A_760 = tpu.memref_slice %arg6[%dma_start3A_746, %dma_start3A_758, %dma_start3A_759] : memref<7x512x32xf32, #tpu.memory_space<vmem>> -> memref<1x512x32xf32, #tpu.memory_space<vmem>>
    %dma_start3A_761 = tpu.memref_squeeze %dma_start3A_760 : memref<1x512x32xf32, #tpu.memory_space<vmem>> -> memref<512x32xf32, #tpu.memory_space<vmem>>
    tpu.enqueue_dma source(%dma_start3A_761 : memref<512x32xf32, #tpu.memory_space<vmem>>) target(%dma_start3A_757 : memref<512x32xf32, #tpu.memory_space<hbm>>) target_semaphore(%dma_start3A_755 : memref<!tpu.dma_semaphore, #tpu.memory_space<semaphore_mem>>)
    %dma_wait3A_762 = arith.constant 0 : i32
    %dma_wait3A_763 = arith.constant 0 : i32
    %dma_wait3A_764 = arith.constant 0 : i32
    %dma_wait3A_765 = arith.constant 0 : i32
    %dma_wait3A_766 = tpu.memref_slice %arg6[%dma_wait3A_762, %dma_wait3A_764, %dma_wait3A_765] : memref<7x512x32xf32, #tpu.memory_space<vmem>> -> memref<1x512x32xf32, #tpu.memory_space<vmem>>
    %dma_wait3A_767 = tpu.memref_squeeze %dma_wait3A_766 : memref<1x512x32xf32, #tpu.memory_space<vmem>> -> memref<512x32xf32, #tpu.memory_space<vmem>>
    %dma_wait3A_768 = arith.constant 0 : i32
    %dma_wait3A_769 = arith.constant 0 : i32
    %dma_wait3A_770 = tpu.memref_slice %arg4[%dma_wait3A_768, %dma_wait3A_769] : memref<3276800x32xf32, #tpu.memory_space<hbm>> -> memref<512x32xf32, #tpu.memory_space<hbm>>
    %dma_wait3A_771 = tpu.memref_slice %arg8[%dma_wait3A_763] : memref<7x!tpu.dma_semaphore, #tpu.memory_space<semaphore_mem>> -> memref<1x!tpu.dma_semaphore, #tpu.memory_space<semaphore_mem>>
    %dma_wait3A_772 = tpu.memref_squeeze %dma_wait3A_771 : memref<1x!tpu.dma_semaphore, #tpu.memory_space<semaphore_mem>> -> memref<!tpu.dma_semaphore, #tpu.memory_space<semaphore_mem>>
    %dma_wait3A_773 = arith.constant 0 : i32
    %dma_wait3A_774 = arith.constant 0 : i32
    %dma_wait3A_775 = tpu.memref_slice %arg6[%dma_wait3A_762, %dma_wait3A_773, %dma_wait3A_774] : memref<7x512x32xf32, #tpu.memory_space<vmem>> -> memref<1x512x32xf32, #tpu.memory_space<vmem>>
    %dma_wait3A_776 = tpu.memref_squeeze %dma_wait3A_775 : memref<1x512x32xf32, #tpu.memory_space<vmem>> -> memref<512x32xf32, #tpu.memory_space<vmem>>
    %dma_wait3A_777 = arith.constant 0 : i32
    %dma_wait3A_778 = arith.constant 0 : i32
    %dma_wait3A_779 = tpu.memref_slice %arg4[%dma_wait3A_777, %dma_wait3A_778] : memref<3276800x32xf32, #tpu.memory_space<hbm>> -> memref<512x32xf32, #tpu.memory_space<hbm>>
    tpu.wait_dma2 semaphore(%dma_wait3A_772 : memref<!tpu.dma_semaphore, #tpu.memory_space<semaphore_mem>>) src(%dma_wait3A_779 : memref<512x32xf32, #tpu.memory_space<hbm>>) dst(%dma_wait3A_776 : memref<512x32xf32, #tpu.memory_space<vmem>>)
    %mul3A_780 = arith.constant 200 : i32
    %mul3A_781 = arith.muli %add3A, %mul3A_780 : i32
    %add3A_782 = arith.constant 196 : i32
    %add3A_783 = arith.addi %mul3A_781, %add3A_782 : i32
    %mul3A_784 = arith.constant 512 : i32
    %mul3A_785 = arith.muli %add3A_783, %mul3A_784 : i32
    %dma_start3A_786 = arith.constant 0 : i32
    %dma_start3A_787 = arith.constant 0 : i32
    %dma_start3A_788 = arith.constant 0 : i32
    %dma_start3A_789 = arith.constant 0 : i32
    %dma_start3A_790 = tpu.memref_slice %arg6[%dma_start3A_786, %dma_start3A_788, %dma_start3A_789] : memref<7x512x32xf32, #tpu.memory_space<vmem>> -> memref<1x512x32xf32, #tpu.memory_space<vmem>>
    %dma_start3A_791 = tpu.memref_squeeze %dma_start3A_790 : memref<1x512x32xf32, #tpu.memory_space<vmem>> -> memref<512x32xf32, #tpu.memory_space<vmem>>
    %dma_start3A_792 = arith.constant 0 : i32
    %dma_start3A_793 = tpu.memref_slice %arg4[%mul3A_785, %dma_start3A_792] : memref<3276800x32xf32, #tpu.memory_space<hbm>> -> memref<512x32xf32, #tpu.memory_space<hbm>>
    %dma_start3A_794 = tpu.memref_slice %arg9[%dma_start3A_787] : memref<7x!tpu.dma_semaphore, #tpu.memory_space<semaphore_mem>> -> memref<1x!tpu.dma_semaphore, #tpu.memory_space<semaphore_mem>>
    %dma_start3A_795 = tpu.memref_squeeze %dma_start3A_794 : memref<1x!tpu.dma_semaphore, #tpu.memory_space<semaphore_mem>> -> memref<!tpu.dma_semaphore, #tpu.memory_space<semaphore_mem>>
    %dma_start3A_796 = arith.constant 0 : i32
    %dma_start3A_797 = tpu.memref_slice %arg4[%mul3A_785, %dma_start3A_796] : memref<3276800x32xf32, #tpu.memory_space<hbm>> -> memref<512x32xf32, #tpu.memory_space<hbm>>
    %dma_start3A_798 = arith.constant 0 : i32
    %dma_start3A_799 = arith.constant 0 : i32
    %dma_start3A_800 = tpu.memref_slice %arg6[%dma_start3A_786, %dma_start3A_798, %dma_start3A_799] : memref<7x512x32xf32, #tpu.memory_space<vmem>> -> memref<1x512x32xf32, #tpu.memory_space<vmem>>
    %dma_start3A_801 = tpu.memref_squeeze %dma_start3A_800 : memref<1x512x32xf32, #tpu.memory_space<vmem>> -> memref<512x32xf32, #tpu.memory_space<vmem>>
    tpu.enqueue_dma source(%dma_start3A_801 : memref<512x32xf32, #tpu.memory_space<vmem>>) target(%dma_start3A_797 : memref<512x32xf32, #tpu.memory_space<hbm>>) target_semaphore(%dma_start3A_795 : memref<!tpu.dma_semaphore, #tpu.memory_space<semaphore_mem>>)
    %dma_wait3A_802 = arith.constant 1 : i32
    %dma_wait3A_803 = arith.constant 1 : i32
    %dma_wait3A_804 = arith.constant 0 : i32
    %dma_wait3A_805 = arith.constant 0 : i32
    %dma_wait3A_806 = tpu.memref_slice %arg6[%dma_wait3A_802, %dma_wait3A_804, %dma_wait3A_805] : memref<7x512x32xf32, #tpu.memory_space<vmem>> -> memref<1x512x32xf32, #tpu.memory_space<vmem>>
    %dma_wait3A_807 = tpu.memref_squeeze %dma_wait3A_806 : memref<1x512x32xf32, #tpu.memory_space<vmem>> -> memref<512x32xf32, #tpu.memory_space<vmem>>
    %dma_wait3A_808 = arith.constant 0 : i32
    %dma_wait3A_809 = arith.constant 0 : i32
    %dma_wait3A_810 = tpu.memref_slice %arg4[%dma_wait3A_808, %dma_wait3A_809] : memref<3276800x32xf32, #tpu.memory_space<hbm>> -> memref<512x32xf32, #tpu.memory_space<hbm>>
    %dma_wait3A_811 = tpu.memref_slice %arg8[%dma_wait3A_803] : memref<7x!tpu.dma_semaphore, #tpu.memory_space<semaphore_mem>> -> memref<1x!tpu.dma_semaphore, #tpu.memory_space<semaphore_mem>>
    %dma_wait3A_812 = tpu.memref_squeeze %dma_wait3A_811 : memref<1x!tpu.dma_semaphore, #tpu.memory_space<semaphore_mem>> -> memref<!tpu.dma_semaphore, #tpu.memory_space<semaphore_mem>>
    %dma_wait3A_813 = arith.constant 0 : i32
    %dma_wait3A_814 = arith.constant 0 : i32
    %dma_wait3A_815 = tpu.memref_slice %arg6[%dma_wait3A_802, %dma_wait3A_813, %dma_wait3A_814] : memref<7x512x32xf32, #tpu.memory_space<vmem>> -> memref<1x512x32xf32, #tpu.memory_space<vmem>>
    %dma_wait3A_816 = tpu.memref_squeeze %dma_wait3A_815 : memref<1x512x32xf32, #tpu.memory_space<vmem>> -> memref<512x32xf32, #tpu.memory_space<vmem>>
    %dma_wait3A_817 = arith.constant 0 : i32
    %dma_wait3A_818 = arith.constant 0 : i32
    %dma_wait3A_819 = tpu.memref_slice %arg4[%dma_wait3A_817, %dma_wait3A_818] : memref<3276800x32xf32, #tpu.memory_space<hbm>> -> memref<512x32xf32, #tpu.memory_space<hbm>>
    tpu.wait_dma2 semaphore(%dma_wait3A_812 : memref<!tpu.dma_semaphore, #tpu.memory_space<semaphore_mem>>) src(%dma_wait3A_819 : memref<512x32xf32, #tpu.memory_space<hbm>>) dst(%dma_wait3A_816 : memref<512x32xf32, #tpu.memory_space<vmem>>)
    %mul3A_820 = arith.constant 200 : i32
    %mul3A_821 = arith.muli %add3A, %mul3A_820 : i32
    %add3A_822 = arith.constant 197 : i32
    %add3A_823 = arith.addi %mul3A_821, %add3A_822 : i32
    %mul3A_824 = arith.constant 512 : i32
    %mul3A_825 = arith.muli %add3A_823, %mul3A_824 : i32
    %dma_start3A_826 = arith.constant 1 : i32
    %dma_start3A_827 = arith.constant 1 : i32
    %dma_start3A_828 = arith.constant 0 : i32
    %dma_start3A_829 = arith.constant 0 : i32
    %dma_start3A_830 = tpu.memref_slice %arg6[%dma_start3A_826, %dma_start3A_828, %dma_start3A_829] : memref<7x512x32xf32, #tpu.memory_space<vmem>> -> memref<1x512x32xf32, #tpu.memory_space<vmem>>
    %dma_start3A_831 = tpu.memref_squeeze %dma_start3A_830 : memref<1x512x32xf32, #tpu.memory_space<vmem>> -> memref<512x32xf32, #tpu.memory_space<vmem>>
    %dma_start3A_832 = arith.constant 0 : i32
    %dma_start3A_833 = tpu.memref_slice %arg4[%mul3A_825, %dma_start3A_832] : memref<3276800x32xf32, #tpu.memory_space<hbm>> -> memref<512x32xf32, #tpu.memory_space<hbm>>
    %dma_start3A_834 = tpu.memref_slice %arg9[%dma_start3A_827] : memref<7x!tpu.dma_semaphore, #tpu.memory_space<semaphore_mem>> -> memref<1x!tpu.dma_semaphore, #tpu.memory_space<semaphore_mem>>
    %dma_start3A_835 = tpu.memref_squeeze %dma_start3A_834 : memref<1x!tpu.dma_semaphore, #tpu.memory_space<semaphore_mem>> -> memref<!tpu.dma_semaphore, #tpu.memory_space<semaphore_mem>>
    %dma_start3A_836 = arith.constant 0 : i32
    %dma_start3A_837 = tpu.memref_slice %arg4[%mul3A_825, %dma_start3A_836] : memref<3276800x32xf32, #tpu.memory_space<hbm>> -> memref<512x32xf32, #tpu.memory_space<hbm>>
    %dma_start3A_838 = arith.constant 0 : i32
    %dma_start3A_839 = arith.constant 0 : i32
    %dma_start3A_840 = tpu.memref_slice %arg6[%dma_start3A_826, %dma_start3A_838, %dma_start3A_839] : memref<7x512x32xf32, #tpu.memory_space<vmem>> -> memref<1x512x32xf32, #tpu.memory_space<vmem>>
    %dma_start3A_841 = tpu.memref_squeeze %dma_start3A_840 : memref<1x512x32xf32, #tpu.memory_space<vmem>> -> memref<512x32xf32, #tpu.memory_space<vmem>>
    tpu.enqueue_dma source(%dma_start3A_841 : memref<512x32xf32, #tpu.memory_space<vmem>>) target(%dma_start3A_837 : memref<512x32xf32, #tpu.memory_space<hbm>>) target_semaphore(%dma_start3A_835 : memref<!tpu.dma_semaphore, #tpu.memory_space<semaphore_mem>>)
    %dma_wait3A_842 = arith.constant 2 : i32
    %dma_wait3A_843 = arith.constant 2 : i32
    %dma_wait3A_844 = arith.constant 0 : i32
    %dma_wait3A_845 = arith.constant 0 : i32
    %dma_wait3A_846 = tpu.memref_slice %arg6[%dma_wait3A_842, %dma_wait3A_844, %dma_wait3A_845] : memref<7x512x32xf32, #tpu.memory_space<vmem>> -> memref<1x512x32xf32, #tpu.memory_space<vmem>>
    %dma_wait3A_847 = tpu.memref_squeeze %dma_wait3A_846 : memref<1x512x32xf32, #tpu.memory_space<vmem>> -> memref<512x32xf32, #tpu.memory_space<vmem>>
    %dma_wait3A_848 = arith.constant 0 : i32
    %dma_wait3A_849 = arith.constant 0 : i32
    %dma_wait3A_850 = tpu.memref_slice %arg4[%dma_wait3A_848, %dma_wait3A_849] : memref<3276800x32xf32, #tpu.memory_space<hbm>> -> memref<512x32xf32, #tpu.memory_space<hbm>>
    %dma_wait3A_851 = tpu.memref_slice %arg8[%dma_wait3A_843] : memref<7x!tpu.dma_semaphore, #tpu.memory_space<semaphore_mem>> -> memref<1x!tpu.dma_semaphore, #tpu.memory_space<semaphore_mem>>
    %dma_wait3A_852 = tpu.memref_squeeze %dma_wait3A_851 : memref<1x!tpu.dma_semaphore, #tpu.memory_space<semaphore_mem>> -> memref<!tpu.dma_semaphore, #tpu.memory_space<semaphore_mem>>
    %dma_wait3A_853 = arith.constant 0 : i32
    %dma_wait3A_854 = arith.constant 0 : i32
    %dma_wait3A_855 = tpu.memref_slice %arg6[%dma_wait3A_842, %dma_wait3A_853, %dma_wait3A_854] : memref<7x512x32xf32, #tpu.memory_space<vmem>> -> memref<1x512x32xf32, #tpu.memory_space<vmem>>
    %dma_wait3A_856 = tpu.memref_squeeze %dma_wait3A_855 : memref<1x512x32xf32, #tpu.memory_space<vmem>> -> memref<512x32xf32, #tpu.memory_space<vmem>>
    %dma_wait3A_857 = arith.constant 0 : i32
    %dma_wait3A_858 = arith.constant 0 : i32
    %dma_wait3A_859 = tpu.memref_slice %arg4[%dma_wait3A_857, %dma_wait3A_858] : memref<3276800x32xf32, #tpu.memory_space<hbm>> -> memref<512x32xf32, #tpu.memory_space<hbm>>
    tpu.wait_dma2 semaphore(%dma_wait3A_852 : memref<!tpu.dma_semaphore, #tpu.memory_space<semaphore_mem>>) src(%dma_wait3A_859 : memref<512x32xf32, #tpu.memory_space<hbm>>) dst(%dma_wait3A_856 : memref<512x32xf32, #tpu.memory_space<vmem>>)
    %mul3A_860 = arith.constant 200 : i32
    %mul3A_861 = arith.muli %add3A, %mul3A_860 : i32
    %add3A_862 = arith.constant 198 : i32
    %add3A_863 = arith.addi %mul3A_861, %add3A_862 : i32
    %mul3A_864 = arith.constant 512 : i32
    %mul3A_865 = arith.muli %add3A_863, %mul3A_864 : i32
    %dma_start3A_866 = arith.constant 2 : i32
    %dma_start3A_867 = arith.constant 2 : i32
    %dma_start3A_868 = arith.constant 0 : i32
    %dma_start3A_869 = arith.constant 0 : i32
    %dma_start3A_870 = tpu.memref_slice %arg6[%dma_start3A_866, %dma_start3A_868, %dma_start3A_869] : memref<7x512x32xf32, #tpu.memory_space<vmem>> -> memref<1x512x32xf32, #tpu.memory_space<vmem>>
    %dma_start3A_871 = tpu.memref_squeeze %dma_start3A_870 : memref<1x512x32xf32, #tpu.memory_space<vmem>> -> memref<512x32xf32, #tpu.memory_space<vmem>>
    %dma_start3A_872 = arith.constant 0 : i32
    %dma_start3A_873 = tpu.memref_slice %arg4[%mul3A_865, %dma_start3A_872] : memref<3276800x32xf32, #tpu.memory_space<hbm>> -> memref<512x32xf32, #tpu.memory_space<hbm>>
    %dma_start3A_874 = tpu.memref_slice %arg9[%dma_start3A_867] : memref<7x!tpu.dma_semaphore, #tpu.memory_space<semaphore_mem>> -> memref<1x!tpu.dma_semaphore, #tpu.memory_space<semaphore_mem>>
    %dma_start3A_875 = tpu.memref_squeeze %dma_start3A_874 : memref<1x!tpu.dma_semaphore, #tpu.memory_space<semaphore_mem>> -> memref<!tpu.dma_semaphore, #tpu.memory_space<semaphore_mem>>
    %dma_start3A_876 = arith.constant 0 : i32
    %dma_start3A_877 = tpu.memref_slice %arg4[%mul3A_865, %dma_start3A_876] : memref<3276800x32xf32, #tpu.memory_space<hbm>> -> memref<512x32xf32, #tpu.memory_space<hbm>>
    %dma_start3A_878 = arith.constant 0 : i32
    %dma_start3A_879 = arith.constant 0 : i32
    %dma_start3A_880 = tpu.memref_slice %arg6[%dma_start3A_866, %dma_start3A_878, %dma_start3A_879] : memref<7x512x32xf32, #tpu.memory_space<vmem>> -> memref<1x512x32xf32, #tpu.memory_space<vmem>>
    %dma_start3A_881 = tpu.memref_squeeze %dma_start3A_880 : memref<1x512x32xf32, #tpu.memory_space<vmem>> -> memref<512x32xf32, #tpu.memory_space<vmem>>
    tpu.enqueue_dma source(%dma_start3A_881 : memref<512x32xf32, #tpu.memory_space<vmem>>) target(%dma_start3A_877 : memref<512x32xf32, #tpu.memory_space<hbm>>) target_semaphore(%dma_start3A_875 : memref<!tpu.dma_semaphore, #tpu.memory_space<semaphore_mem>>)
    %dma_wait3A_882 = arith.constant 3 : i32
    %dma_wait3A_883 = arith.constant 3 : i32
    %dma_wait3A_884 = arith.constant 0 : i32
    %dma_wait3A_885 = arith.constant 0 : i32
    %dma_wait3A_886 = tpu.memref_slice %arg6[%dma_wait3A_882, %dma_wait3A_884, %dma_wait3A_885] : memref<7x512x32xf32, #tpu.memory_space<vmem>> -> memref<1x512x32xf32, #tpu.memory_space<vmem>>
    %dma_wait3A_887 = tpu.memref_squeeze %dma_wait3A_886 : memref<1x512x32xf32, #tpu.memory_space<vmem>> -> memref<512x32xf32, #tpu.memory_space<vmem>>
    %dma_wait3A_888 = arith.constant 0 : i32
    %dma_wait3A_889 = arith.constant 0 : i32
    %dma_wait3A_890 = tpu.memref_slice %arg4[%dma_wait3A_888, %dma_wait3A_889] : memref<3276800x32xf32, #tpu.memory_space<hbm>> -> memref<512x32xf32, #tpu.memory_space<hbm>>
    %dma_wait3A_891 = tpu.memref_slice %arg8[%dma_wait3A_883] : memref<7x!tpu.dma_semaphore, #tpu.memory_space<semaphore_mem>> -> memref<1x!tpu.dma_semaphore, #tpu.memory_space<semaphore_mem>>
    %dma_wait3A_892 = tpu.memref_squeeze %dma_wait3A_891 : memref<1x!tpu.dma_semaphore, #tpu.memory_space<semaphore_mem>> -> memref<!tpu.dma_semaphore, #tpu.memory_space<semaphore_mem>>
    %dma_wait3A_893 = arith.constant 0 : i32
    %dma_wait3A_894 = arith.constant 0 : i32
    %dma_wait3A_895 = tpu.memref_slice %arg6[%dma_wait3A_882, %dma_wait3A_893, %dma_wait3A_894] : memref<7x512x32xf32, #tpu.memory_space<vmem>> -> memref<1x512x32xf32, #tpu.memory_space<vmem>>
    %dma_wait3A_896 = tpu.memref_squeeze %dma_wait3A_895 : memref<1x512x32xf32, #tpu.memory_space<vmem>> -> memref<512x32xf32, #tpu.memory_space<vmem>>
    %dma_wait3A_897 = arith.constant 0 : i32
    %dma_wait3A_898 = arith.constant 0 : i32
    %dma_wait3A_899 = tpu.memref_slice %arg4[%dma_wait3A_897, %dma_wait3A_898] : memref<3276800x32xf32, #tpu.memory_space<hbm>> -> memref<512x32xf32, #tpu.memory_space<hbm>>
    tpu.wait_dma2 semaphore(%dma_wait3A_892 : memref<!tpu.dma_semaphore, #tpu.memory_space<semaphore_mem>>) src(%dma_wait3A_899 : memref<512x32xf32, #tpu.memory_space<hbm>>) dst(%dma_wait3A_896 : memref<512x32xf32, #tpu.memory_space<vmem>>)
    %mul3A_900 = arith.constant 200 : i32
    %mul3A_901 = arith.muli %add3A, %mul3A_900 : i32
    %add3A_902 = arith.constant 199 : i32
    %add3A_903 = arith.addi %mul3A_901, %add3A_902 : i32
    %mul3A_904 = arith.constant 512 : i32
    %mul3A_905 = arith.muli %add3A_903, %mul3A_904 : i32
    %dma_start3A_906 = arith.constant 3 : i32
    %dma_start3A_907 = arith.constant 3 : i32
    %dma_start3A_908 = arith.constant 0 : i32
    %dma_start3A_909 = arith.constant 0 : i32
    %dma_start3A_910 = tpu.memref_slice %arg6[%dma_start3A_906, %dma_start3A_908, %dma_start3A_909] : memref<7x512x32xf32, #tpu.memory_space<vmem>> -> memref<1x512x32xf32, #tpu.memory_space<vmem>>
    %dma_start3A_911 = tpu.memref_squeeze %dma_start3A_910 : memref<1x512x32xf32, #tpu.memory_space<vmem>> -> memref<512x32xf32, #tpu.memory_space<vmem>>
    %dma_start3A_912 = arith.constant 0 : i32
    %dma_start3A_913 = tpu.memref_slice %arg4[%mul3A_905, %dma_start3A_912] : memref<3276800x32xf32, #tpu.memory_space<hbm>> -> memref<512x32xf32, #tpu.memory_space<hbm>>
    %dma_start3A_914 = tpu.memref_slice %arg9[%dma_start3A_907] : memref<7x!tpu.dma_semaphore, #tpu.memory_space<semaphore_mem>> -> memref<1x!tpu.dma_semaphore, #tpu.memory_space<semaphore_mem>>
    %dma_start3A_915 = tpu.memref_squeeze %dma_start3A_914 : memref<1x!tpu.dma_semaphore, #tpu.memory_space<semaphore_mem>> -> memref<!tpu.dma_semaphore, #tpu.memory_space<semaphore_mem>>
    %dma_start3A_916 = arith.constant 0 : i32
    %dma_start3A_917 = tpu.memref_slice %arg4[%mul3A_905, %dma_start3A_916] : memref<3276800x32xf32, #tpu.memory_space<hbm>> -> memref<512x32xf32, #tpu.memory_space<hbm>>
    %dma_start3A_918 = arith.constant 0 : i32
    %dma_start3A_919 = arith.constant 0 : i32
    %dma_start3A_920 = tpu.memref_slice %arg6[%dma_start3A_906, %dma_start3A_918, %dma_start3A_919] : memref<7x512x32xf32, #tpu.memory_space<vmem>> -> memref<1x512x32xf32, #tpu.memory_space<vmem>>
    %dma_start3A_921 = tpu.memref_squeeze %dma_start3A_920 : memref<1x512x32xf32, #tpu.memory_space<vmem>> -> memref<512x32xf32, #tpu.memory_space<vmem>>
    tpu.enqueue_dma source(%dma_start3A_921 : memref<512x32xf32, #tpu.memory_space<vmem>>) target(%dma_start3A_917 : memref<512x32xf32, #tpu.memory_space<hbm>>) target_semaphore(%dma_start3A_915 : memref<!tpu.dma_semaphore, #tpu.memory_space<semaphore_mem>>)
    %dma_wait3A_922 = arith.constant 0 : i32
    %dma_wait3A_923 = arith.constant 0 : i32
    %dma_wait3A_924 = arith.constant 0 : i32
    %dma_wait3A_925 = arith.constant 0 : i32
    %dma_wait3A_926 = tpu.memref_slice %arg6[%dma_wait3A_922, %dma_wait3A_924, %dma_wait3A_925] : memref<7x512x32xf32, #tpu.memory_space<vmem>> -> memref<1x512x32xf32, #tpu.memory_space<vmem>>
    %dma_wait3A_927 = tpu.memref_squeeze %dma_wait3A_926 : memref<1x512x32xf32, #tpu.memory_space<vmem>> -> memref<512x32xf32, #tpu.memory_space<vmem>>
    %dma_wait3A_928 = arith.constant 0 : i32
    %dma_wait3A_929 = arith.constant 0 : i32
    %dma_wait3A_930 = tpu.memref_slice %arg4[%dma_wait3A_928, %dma_wait3A_929] : memref<3276800x32xf32, #tpu.memory_space<hbm>> -> memref<512x32xf32, #tpu.memory_space<hbm>>
    %dma_wait3A_931 = tpu.memref_slice %arg9[%dma_wait3A_923] : memref<7x!tpu.dma_semaphore, #tpu.memory_space<semaphore_mem>> -> memref<1x!tpu.dma_semaphore, #tpu.memory_space<semaphore_mem>>
    %dma_wait3A_932 = tpu.memref_squeeze %dma_wait3A_931 : memref<1x!tpu.dma_semaphore, #tpu.memory_space<semaphore_mem>> -> memref<!tpu.dma_semaphore, #tpu.memory_space<semaphore_mem>>
    %dma_wait3A_933 = arith.constant 0 : i32
    %dma_wait3A_934 = arith.constant 0 : i32
    %dma_wait3A_935 = tpu.memref_slice %arg4[%dma_wait3A_933, %dma_wait3A_934] : memref<3276800x32xf32, #tpu.memory_space<hbm>> -> memref<512x32xf32, #tpu.memory_space<hbm>>
    %dma_wait3A_936 = arith.constant 0 : i32
    %dma_wait3A_937 = arith.constant 0 : i32
    %dma_wait3A_938 = tpu.memref_slice %arg6[%dma_wait3A_922, %dma_wait3A_936, %dma_wait3A_937] : memref<7x512x32xf32, #tpu.memory_space<vmem>> -> memref<1x512x32xf32, #tpu.memory_space<vmem>>
    %dma_wait3A_939 = tpu.memref_squeeze %dma_wait3A_938 : memref<1x512x32xf32, #tpu.memory_space<vmem>> -> memref<512x32xf32, #tpu.memory_space<vmem>>
    tpu.wait_dma2 semaphore(%dma_wait3A_932 : memref<!tpu.dma_semaphore, #tpu.memory_space<semaphore_mem>>) src(%dma_wait3A_939 : memref<512x32xf32, #tpu.memory_space<vmem>>) dst(%dma_wait3A_935 : memref<512x32xf32, #tpu.memory_space<hbm>>)
    %dma_wait3A_940 = arith.constant 1 : i32
    %dma_wait3A_941 = arith.constant 1 : i32
    %dma_wait3A_942 = arith.constant 0 : i32
    %dma_wait3A_943 = arith.constant 0 : i32
    %dma_wait3A_944 = tpu.memref_slice %arg6[%dma_wait3A_940, %dma_wait3A_942, %dma_wait3A_943] : memref<7x512x32xf32, #tpu.memory_space<vmem>> -> memref<1x512x32xf32, #tpu.memory_space<vmem>>
    %dma_wait3A_945 = tpu.memref_squeeze %dma_wait3A_944 : memref<1x512x32xf32, #tpu.memory_space<vmem>> -> memref<512x32xf32, #tpu.memory_space<vmem>>
    %dma_wait3A_946 = arith.constant 0 : i32
    %dma_wait3A_947 = arith.constant 0 : i32
    %dma_wait3A_948 = tpu.memref_slice %arg4[%dma_wait3A_946, %dma_wait3A_947] : memref<3276800x32xf32, #tpu.memory_space<hbm>> -> memref<512x32xf32, #tpu.memory_space<hbm>>
    %dma_wait3A_949 = tpu.memref_slice %arg9[%dma_wait3A_941] : memref<7x!tpu.dma_semaphore, #tpu.memory_space<semaphore_mem>> -> memref<1x!tpu.dma_semaphore, #tpu.memory_space<semaphore_mem>>
    %dma_wait3A_950 = tpu.memref_squeeze %dma_wait3A_949 : memref<1x!tpu.dma_semaphore, #tpu.memory_space<semaphore_mem>> -> memref<!tpu.dma_semaphore, #tpu.memory_space<semaphore_mem>>
    %dma_wait3A_951 = arith.constant 0 : i32
    %dma_wait3A_952 = arith.constant 0 : i32
    %dma_wait3A_953 = tpu.memref_slice %arg4[%dma_wait3A_951, %dma_wait3A_952] : memref<3276800x32xf32, #tpu.memory_space<hbm>> -> memref<512x32xf32, #tpu.memory_space<hbm>>
    %dma_wait3A_954 = arith.constant 0 : i32
    %dma_wait3A_955 = arith.constant 0 : i32
    %dma_wait3A_956 = tpu.memref_slice %arg6[%dma_wait3A_940, %dma_wait3A_954, %dma_wait3A_955] : memref<7x512x32xf32, #tpu.memory_space<vmem>> -> memref<1x512x32xf32, #tpu.memory_space<vmem>>
    %dma_wait3A_957 = tpu.memref_squeeze %dma_wait3A_956 : memref<1x512x32xf32, #tpu.memory_space<vmem>> -> memref<512x32xf32, #tpu.memory_space<vmem>>
    tpu.wait_dma2 semaphore(%dma_wait3A_950 : memref<!tpu.dma_semaphore, #tpu.memory_space<semaphore_mem>>) src(%dma_wait3A_957 : memref<512x32xf32, #tpu.memory_space<vmem>>) dst(%dma_wait3A_953 : memref<512x32xf32, #tpu.memory_space<hbm>>)
    %dma_wait3A_958 = arith.constant 2 : i32
    %dma_wait3A_959 = arith.constant 2 : i32
    %dma_wait3A_960 = arith.constant 0 : i32
    %dma_wait3A_961 = arith.constant 0 : i32
    %dma_wait3A_962 = tpu.memref_slice %arg6[%dma_wait3A_958, %dma_wait3A_960, %dma_wait3A_961] : memref<7x512x32xf32, #tpu.memory_space<vmem>> -> memref<1x512x32xf32, #tpu.memory_space<vmem>>
    %dma_wait3A_963 = tpu.memref_squeeze %dma_wait3A_962 : memref<1x512x32xf32, #tpu.memory_space<vmem>> -> memref<512x32xf32, #tpu.memory_space<vmem>>
    %dma_wait3A_964 = arith.constant 0 : i32
    %dma_wait3A_965 = arith.constant 0 : i32
    %dma_wait3A_966 = tpu.memref_slice %arg4[%dma_wait3A_964, %dma_wait3A_965] : memref<3276800x32xf32, #tpu.memory_space<hbm>> -> memref<512x32xf32, #tpu.memory_space<hbm>>
    %dma_wait3A_967 = tpu.memref_slice %arg9[%dma_wait3A_959] : memref<7x!tpu.dma_semaphore, #tpu.memory_space<semaphore_mem>> -> memref<1x!tpu.dma_semaphore, #tpu.memory_space<semaphore_mem>>
    %dma_wait3A_968 = tpu.memref_squeeze %dma_wait3A_967 : memref<1x!tpu.dma_semaphore, #tpu.memory_space<semaphore_mem>> -> memref<!tpu.dma_semaphore, #tpu.memory_space<semaphore_mem>>
    %dma_wait3A_969 = arith.constant 0 : i32
    %dma_wait3A_970 = arith.constant 0 : i32
    %dma_wait3A_971 = tpu.memref_slice %arg4[%dma_wait3A_969, %dma_wait3A_970] : memref<3276800x32xf32, #tpu.memory_space<hbm>> -> memref<512x32xf32, #tpu.memory_space<hbm>>
    %dma_wait3A_972 = arith.constant 0 : i32
    %dma_wait3A_973 = arith.constant 0 : i32
    %dma_wait3A_974 = tpu.memref_slice %arg6[%dma_wait3A_958, %dma_wait3A_972, %dma_wait3A_973] : memref<7x512x32xf32, #tpu.memory_space<vmem>> -> memref<1x512x32xf32, #tpu.memory_space<vmem>>
    %dma_wait3A_975 = tpu.memref_squeeze %dma_wait3A_974 : memref<1x512x32xf32, #tpu.memory_space<vmem>> -> memref<512x32xf32, #tpu.memory_space<vmem>>
    tpu.wait_dma2 semaphore(%dma_wait3A_968 : memref<!tpu.dma_semaphore, #tpu.memory_space<semaphore_mem>>) src(%dma_wait3A_975 : memref<512x32xf32, #tpu.memory_space<vmem>>) dst(%dma_wait3A_971 : memref<512x32xf32, #tpu.memory_space<hbm>>)
    %dma_wait3A_976 = arith.constant 3 : i32
    %dma_wait3A_977 = arith.constant 3 : i32
    %dma_wait3A_978 = arith.constant 0 : i32
    %dma_wait3A_979 = arith.constant 0 : i32
    %dma_wait3A_980 = tpu.memref_slice %arg6[%dma_wait3A_976, %dma_wait3A_978, %dma_wait3A_979] : memref<7x512x32xf32, #tpu.memory_space<vmem>> -> memref<1x512x32xf32, #tpu.memory_space<vmem>>
    %dma_wait3A_981 = tpu.memref_squeeze %dma_wait3A_980 : memref<1x512x32xf32, #tpu.memory_space<vmem>> -> memref<512x32xf32, #tpu.memory_space<vmem>>
    %dma_wait3A_982 = arith.constant 0 : i32
    %dma_wait3A_983 = arith.constant 0 : i32
    %dma_wait3A_984 = tpu.memref_slice %arg4[%dma_wait3A_982, %dma_wait3A_983] : memref<3276800x32xf32, #tpu.memory_space<hbm>> -> memref<512x32xf32, #tpu.memory_space<hbm>>
    %dma_wait3A_985 = tpu.memref_slice %arg9[%dma_wait3A_977] : memref<7x!tpu.dma_semaphore, #tpu.memory_space<semaphore_mem>> -> memref<1x!tpu.dma_semaphore, #tpu.memory_space<semaphore_mem>>
    %dma_wait3A_986 = tpu.memref_squeeze %dma_wait3A_985 : memref<1x!tpu.dma_semaphore, #tpu.memory_space<semaphore_mem>> -> memref<!tpu.dma_semaphore, #tpu.memory_space<semaphore_mem>>
    %dma_wait3A_987 = arith.constant 0 : i32
    %dma_wait3A_988 = arith.constant 0 : i32
    %dma_wait3A_989 = tpu.memref_slice %arg4[%dma_wait3A_987, %dma_wait3A_988] : memref<3276800x32xf32, #tpu.memory_space<hbm>> -> memref<512x32xf32, #tpu.memory_space<hbm>>
    %dma_wait3A_990 = arith.constant 0 : i32
    %dma_wait3A_991 = arith.constant 0 : i32
    %dma_wait3A_992 = tpu.memref_slice %arg6[%dma_wait3A_976, %dma_wait3A_990, %dma_wait3A_991] : memref<7x512x32xf32, #tpu.memory_space<vmem>> -> memref<1x512x32xf32, #tpu.memory_space<vmem>>
    %dma_wait3A_993 = tpu.memref_squeeze %dma_wait3A_992 : memref<1x512x32xf32, #tpu.memory_space<vmem>> -> memref<512x32xf32, #tpu.memory_space<vmem>>
    tpu.wait_dma2 semaphore(%dma_wait3A_986 : memref<!tpu.dma_semaphore, #tpu.memory_space<semaphore_mem>>) src(%dma_wait3A_993 : memref<512x32xf32, #tpu.memory_space<vmem>>) dst(%dma_wait3A_989 : memref<512x32xf32, #tpu.memory_space<hbm>>)
    %dma_wait3A_994 = arith.constant 4 : i32
    %dma_wait3A_995 = arith.constant 4 : i32
    %dma_wait3A_996 = arith.constant 0 : i32
    %dma_wait3A_997 = arith.constant 0 : i32
    %dma_wait3A_998 = tpu.memref_slice %arg6[%dma_wait3A_994, %dma_wait3A_996, %dma_wait3A_997] : memref<7x512x32xf32, #tpu.memory_space<vmem>> -> memref<1x512x32xf32, #tpu.memory_space<vmem>>
    %dma_wait3A_999 = tpu.memref_squeeze %dma_wait3A_998 : memref<1x512x32xf32, #tpu.memory_space<vmem>> -> memref<512x32xf32, #tpu.memory_space<vmem>>
    %dma_wait3A_1000 = arith.constant 0 : i32
    %dma_wait3A_1001 = arith.constant 0 : i32
    %dma_wait3A_1002 = tpu.memref_slice %arg4[%dma_wait3A_1000, %dma_wait3A_1001] : memref<3276800x32xf32, #tpu.memory_space<hbm>> -> memref<512x32xf32, #tpu.memory_space<hbm>>
    %dma_wait3A_1003 = tpu.memref_slice %arg9[%dma_wait3A_995] : memref<7x!tpu.dma_semaphore, #tpu.memory_space<semaphore_mem>> -> memref<1x!tpu.dma_semaphore, #tpu.memory_space<semaphore_mem>>
    %dma_wait3A_1004 = tpu.memref_squeeze %dma_wait3A_1003 : memref<1x!tpu.dma_semaphore, #tpu.memory_space<semaphore_mem>> -> memref<!tpu.dma_semaphore, #tpu.memory_space<semaphore_mem>>
    %dma_wait3A_1005 = arith.constant 0 : i32
    %dma_wait3A_1006 = arith.constant 0 : i32
    %dma_wait3A_1007 = tpu.memref_slice %arg4[%dma_wait3A_1005, %dma_wait3A_1006] : memref<3276800x32xf32, #tpu.memory_space<hbm>> -> memref<512x32xf32, #tpu.memory_space<hbm>>
    %dma_wait3A_1008 = arith.constant 0 : i32
    %dma_wait3A_1009 = arith.constant 0 : i32
    %dma_wait3A_1010 = tpu.memref_slice %arg6[%dma_wait3A_994, %dma_wait3A_1008, %dma_wait3A_1009] : memref<7x512x32xf32, #tpu.memory_space<vmem>> -> memref<1x512x32xf32, #tpu.memory_space<vmem>>
    %dma_wait3A_1011 = tpu.memref_squeeze %dma_wait3A_1010 : memref<1x512x32xf32, #tpu.memory_space<vmem>> -> memref<512x32xf32, #tpu.memory_space<vmem>>
    tpu.wait_dma2 semaphore(%dma_wait3A_1004 : memref<!tpu.dma_semaphore, #tpu.memory_space<semaphore_mem>>) src(%dma_wait3A_1011 : memref<512x32xf32, #tpu.memory_space<vmem>>) dst(%dma_wait3A_1007 : memref<512x32xf32, #tpu.memory_space<hbm>>)
    %dma_wait3A_1012 = arith.constant 5 : i32
    %dma_wait3A_1013 = arith.constant 5 : i32
    %dma_wait3A_1014 = arith.constant 0 : i32
    %dma_wait3A_1015 = arith.constant 0 : i32
    %dma_wait3A_1016 = tpu.memref_slice %arg6[%dma_wait3A_1012, %dma_wait3A_1014, %dma_wait3A_1015] : memref<7x512x32xf32, #tpu.memory_space<vmem>> -> memref<1x512x32xf32, #tpu.memory_space<vmem>>
    %dma_wait3A_1017 = tpu.memref_squeeze %dma_wait3A_1016 : memref<1x512x32xf32, #tpu.memory_space<vmem>> -> memref<512x32xf32, #tpu.memory_space<vmem>>
    %dma_wait3A_1018 = arith.constant 0 : i32
    %dma_wait3A_1019 = arith.constant 0 : i32
    %dma_wait3A_1020 = tpu.memref_slice %arg4[%dma_wait3A_1018, %dma_wait3A_1019] : memref<3276800x32xf32, #tpu.memory_space<hbm>> -> memref<512x32xf32, #tpu.memory_space<hbm>>
    %dma_wait3A_1021 = tpu.memref_slice %arg9[%dma_wait3A_1013] : memref<7x!tpu.dma_semaphore, #tpu.memory_space<semaphore_mem>> -> memref<1x!tpu.dma_semaphore, #tpu.memory_space<semaphore_mem>>
    %dma_wait3A_1022 = tpu.memref_squeeze %dma_wait3A_1021 : memref<1x!tpu.dma_semaphore, #tpu.memory_space<semaphore_mem>> -> memref<!tpu.dma_semaphore, #tpu.memory_space<semaphore_mem>>
    %dma_wait3A_1023 = arith.constant 0 : i32
    %dma_wait3A_1024 = arith.constant 0 : i32
    %dma_wait3A_1025 = tpu.memref_slice %arg4[%dma_wait3A_1023, %dma_wait3A_1024] : memref<3276800x32xf32, #tpu.memory_space<hbm>> -> memref<512x32xf32, #tpu.memory_space<hbm>>
    %dma_wait3A_1026 = arith.constant 0 : i32
    %dma_wait3A_1027 = arith.constant 0 : i32
    %dma_wait3A_1028 = tpu.memref_slice %arg6[%dma_wait3A_1012, %dma_wait3A_1026, %dma_wait3A_1027] : memref<7x512x32xf32, #tpu.memory_space<vmem>> -> memref<1x512x32xf32, #tpu.memory_space<vmem>>
    %dma_wait3A_1029 = tpu.memref_squeeze %dma_wait3A_1028 : memref<1x512x32xf32, #tpu.memory_space<vmem>> -> memref<512x32xf32, #tpu.memory_space<vmem>>
    tpu.wait_dma2 semaphore(%dma_wait3A_1022 : memref<!tpu.dma_semaphore, #tpu.memory_space<semaphore_mem>>) src(%dma_wait3A_1029 : memref<512x32xf32, #tpu.memory_space<vmem>>) dst(%dma_wait3A_1025 : memref<512x32xf32, #tpu.memory_space<hbm>>)
    %dma_wait3A_1030 = arith.constant 6 : i32
    %dma_wait3A_1031 = arith.constant 6 : i32
    %dma_wait3A_1032 = arith.constant 0 : i32
    %dma_wait3A_1033 = arith.constant 0 : i32
    %dma_wait3A_1034 = tpu.memref_slice %arg6[%dma_wait3A_1030, %dma_wait3A_1032, %dma_wait3A_1033] : memref<7x512x32xf32, #tpu.memory_space<vmem>> -> memref<1x512x32xf32, #tpu.memory_space<vmem>>
    %dma_wait3A_1035 = tpu.memref_squeeze %dma_wait3A_1034 : memref<1x512x32xf32, #tpu.memory_space<vmem>> -> memref<512x32xf32, #tpu.memory_space<vmem>>
    %dma_wait3A_1036 = arith.constant 0 : i32
    %dma_wait3A_1037 = arith.constant 0 : i32
    %dma_wait3A_1038 = tpu.memref_slice %arg4[%dma_wait3A_1036, %dma_wait3A_1037] : memref<3276800x32xf32, #tpu.memory_space<hbm>> -> memref<512x32xf32, #tpu.memory_space<hbm>>
    %dma_wait3A_1039 = tpu.memref_slice %arg9[%dma_wait3A_1031] : memref<7x!tpu.dma_semaphore, #tpu.memory_space<semaphore_mem>> -> memref<1x!tpu.dma_semaphore, #tpu.memory_space<semaphore_mem>>
    %dma_wait3A_1040 = tpu.memref_squeeze %dma_wait3A_1039 : memref<1x!tpu.dma_semaphore, #tpu.memory_space<semaphore_mem>> -> memref<!tpu.dma_semaphore, #tpu.memory_space<semaphore_mem>>
    %dma_wait3A_1041 = arith.constant 0 : i32
    %dma_wait3A_1042 = arith.constant 0 : i32
    %dma_wait3A_1043 = tpu.memref_slice %arg4[%dma_wait3A_1041, %dma_wait3A_1042] : memref<3276800x32xf32, #tpu.memory_space<hbm>> -> memref<512x32xf32, #tpu.memory_space<hbm>>
    %dma_wait3A_1044 = arith.constant 0 : i32
    %dma_wait3A_1045 = arith.constant 0 : i32
    %dma_wait3A_1046 = tpu.memref_slice %arg6[%dma_wait3A_1030, %dma_wait3A_1044, %dma_wait3A_1045] : memref<7x512x32xf32, #tpu.memory_space<vmem>> -> memref<1x512x32xf32, #tpu.memory_space<vmem>>
    %dma_wait3A_1047 = tpu.memref_squeeze %dma_wait3A_1046 : memref<1x512x32xf32, #tpu.memory_space<vmem>> -> memref<512x32xf32, #tpu.memory_space<vmem>>
    tpu.wait_dma2 semaphore(%dma_wait3A_1040 : memref<!tpu.dma_semaphore, #tpu.memory_space<semaphore_mem>>) src(%dma_wait3A_1047 : memref<512x32xf32, #tpu.memory_space<vmem>>) dst(%dma_wait3A_1043 : memref<512x32xf32, #tpu.memory_space<hbm>>)
    return
  }
}

</mosaic_0001>

<sc_bundles>
// kernel: kernel.3.cloned.1.call-start
scs
__scs_entry_jumppad:
0x0: {  	(pc) =	sbr.rel $0x88, $3  }
0x1: {  	(tag) =	ssettag $0x0;
	lr =	simm.s32 $0x1  }
0x2: {  	[smem:$0x3F9F] =	sst lr;
	_ =	strace $0xD0000000  }
0x3: {  	_ = 	snop  }
0x4: {  	_ = 	snop  }
0x5: {  	_ = 	snop  }
0x6: {  	_ = 	snop  }
0x7: {  	_ = 	snop  }
__scs_overlays_trampoline_lowered:
0x8: {  	[smem:$0x3FAE] =	sst s0  }
0x9: {  	[smem:$0x3FAF] =	sst s1  }
0xa: {  	[smem:$0x3FB0] =	sst s2  }
0xb: {  	[smem:$0x3FB1] =	sst s3  }
0xc: {  	[smem:$0x3FB2] =	sst s4  }
0xd: {  	[smem:$0x3FB3] =	sst s5  }
0xe: {  	[smem:$0x3FB4] =	sst s6  }
0xf: {  	[smem:$0x3FB5] =	sst s7  }
0x10: {  	[smem:$0x3FB6] =	sst s8  }
0x11: {  	[smem:$0x3FB7] =	sst s9;
	s0 =	simm.s32 @!p0 $0x0  }
0x12: {  	s1 =	sld [smem:$0x3F9D];
	s0 =	simm.s32 @p0 $0x1  }
0x13: {  	[smem:$0x3FB8] =	sst s0;
	s0 =	simm.s32 @!p1 $0x0  }
0x14: {  	s2 =	sld [smem:$0x3F9C];
	s0 =	simm.s32 @p1 $0x1  }
0x15: {  	[smem:$0x3FB9] =	sst s0;
	s0 =	simm.s32 @!p2 $0x0  }
0x16: {  	s3 =	sld [smem:$0x3FDB];
	s0 =	simm.s32 @p2 $0x1  }
0x17: {  	s4 =	simm.s32 $0x1BF5;
	[smem:$0x3FBB] =	sst s0  }
0x18: {  	s0 =	sld [smem:$0x3F9E];
	_ =	swait.ge [sflag:s4], $0x0  }
0x19: {  	s7 =	sld [smem:$0x3F9F]  }
0x1a: {  	s8 =	sadd.s32 $0xFFFFE003, lr  }
0x1b: {  	s9 =	sadd.s32 $0xFFFFFEF7, lr;
	s5 =	simm.s32 $0xFFFFFFFF;
	p2 =	slt.u32 s8, $0xFFFFF086  }
0x1c: {  	p1 =	slt.u32 s9, $0xF7A;
	s5 =	simm.s32 @!p2 $0x0  }
0x1d: {  	s5 =	simm.s32 @p1 $0x1;
	p0 =	seq.s32 s7, s2  }
0x1e: {  	s7 =	smul.u32 @!p0 $0xF7A, s2;
	p2 =	seq.s32 @!p0 s5, $0x0  }
0x1f: {  	s9 =	smul.u32 $0xF7A, s1;
	s8 =	simm.s32 @!p0 $0x1BF5;
	p2 =	por !p2, p0  }
0x20: {  	[sflag:s8] =	ssyncset.s32 @!p0 $0xFFFFF086;
	s6 =	sadd.s32 @!p0 s3, s7;
	s7 =	simm.s32 @!p0 $0x108  }
0x21: {  	s3 =	sadd.s32 s3, s9;
	s6 =	sadd.s32 @!p0 $0x88, s6;
	s7 =	simm.s32 @p2 $0x1082  }
0x22: {  	[simem:s7], [sflag:s8] =	dma.local @!p0 [hbm:s6], $0xF7A  }
0x23: {  	s9 =	sor.u32 $0xD0000000, s2;
	s6 =	simm.s32 $0x108;
	_ =	swait.ge @!p0 [sflag:s8], $0x0  }
0x24: {  	s3 =	sadd.s32 $0x88, s3;
	s6 =	simm.s32 @!p1 $0x1082;
	[sflag:s4] =	ssyncset.s32 $0xFFFFF086  }
0x25: {  	[simem:s6], [sflag:s4] =	dma.local [hbm:s3], $0xF7A  }
0x26: {  	[smem:$0x3F9F] =	sst s1;
	(tag) =	ssettag s2;
	_ =	strace s9  }
0x27: {  	s1 =	sld [smem:$0x3FAF]  }
0x28: {  	s2 =	sld [smem:$0x3FB0]  }
0x29: {  	s4 =	sld [smem:$0x3FB2]  }
0x2a: {  	p0 =	seq.s32 s5, $0x0;
	s5 =	sld [smem:$0x3FB3]  }
0x2b: {  	s6 =	sld [smem:$0x3FB4]  }
0x2c: {  	s7 =	sld [smem:$0x3FB5]  }
0x2d: {  	s3 =	simm.s32 $0x108;
	s8 =	sld [smem:$0x3FB6]  }
0x2e: {  	s3 =	simm.s32 @!p0 $0x1082;
	s9 =	sld [smem:$0x3FB7]  }
0x2f: {  	lr =	sadd.s32 s0, s3;
	s0 =	sld [smem:$0x3FAE]  }
0x30: {  	s3 =	sld [smem:$0x3FB1]  }
0x31: {  	[smem:$0x3FBA] =	sst s10  }
0x32: {  	s10 =	sld [smem:$0x3FB8];
	_ =	sdelay $0x3  }
0x33: {  	p0 =	seq.s32 s10, $0x1;
	s10 =	sld [smem:$0x3FBA];
	_ =	sdelay $0x3  }
0x34: {  	[smem:$0x3FBA] =	sst s10  }
0x35: {  	s10 =	sld [smem:$0x3FB9];
	_ =	sdelay $0x3  }
0x36: {  	p1 =	seq.s32 s10, $0x1;
	s10 =	sld [smem:$0x3FBA];
	_ =	sdelay $0x3  }
0x37: {  	[smem:$0x3FBA] =	sst s10  }
0x38: {  	s10 =	sld [smem:$0x3FBB]  }
0x39: {  	_ = 	snop;
	(pc) =	sbr.ind lr, $3  }
0x3a: {  	_ = 	snop  }
0x3b: {  	_ = 	snop  }
0x3c: {  	p2 =	seq.s32 s10, $0x1;
	s10 =	sld [smem:$0x3FBA]  }
0x3d: {  	_ =	shalt  }
0x3e: {  	_ =	shalt  }
0x3f: {  	_ =	shalt  }
0x40: {  	_ =	shalt  }
0x41: {  	_ =	shalt  }
0x42: {  	_ =	shalt  }
0x43: {  	_ =	shalt  }
0x44: {  	_ =	shalt  }
0x45: {  	_ =	shalt  }
0x46: {  	_ =	shalt  }
0x47: {  	_ =	shalt  }
0x48: {  	_ =	shalt  }
0x49: {  	_ =	shalt  }
0x4a: {  	_ =	shalt  }
0x4b: {  	_ =	shalt  }
0x4c: {  	_ =	shalt  }
0x4d: {  	_ =	shalt  }
0x4e: {  	_ =	shalt  }
0x4f: {  	_ =	shalt  }
0x50: {  	_ =	shalt  }
0x51: {  	_ =	shalt  }
0x52: {  	_ =	shalt  }
0x53: {  	_ =	shalt  }
0x54: {  	_ =	shalt  }
0x55: {  	_ =	shalt  }
0x56: {  	_ =	shalt  }
0x57: {  	_ =	shalt  }
0x58: {  	_ =	shalt  }
0x59: {  	_ =	shalt  }
0x5a: {  	_ =	shalt  }
0x5b: {  	_ =	shalt  }
0x5c: {  	_ =	shalt  }
0x5d: {  	_ =	shalt  }
0x5e: {  	_ =	shalt  }
0x5f: {  	_ =	shalt  }
0x60: {  	_ =	shalt  }
0x61: {  	_ =	shalt  }
0x62: {  	_ =	shalt  }
0x63: {  	_ =	shalt  }
0x64: {  	_ =	shalt  }
0x65: {  	_ =	shalt  }
0x66: {  	_ =	shalt  }
0x67: {  	_ =	shalt  }
0x68: {  	_ =	shalt  }
0x69: {  	_ =	shalt  }
0x6a: {  	_ =	shalt  }
0x6b: {  	_ =	shalt  }
0x6c: {  	_ =	shalt  }
0x6d: {  	_ =	shalt  }
0x6e: {  	_ =	shalt  }
0x6f: {  	_ =	shalt  }
0x70: {  	_ =	shalt  }
0x71: {  	_ =	shalt  }
0x72: {  	_ =	shalt  }
0x73: {  	_ =	shalt  }
0x74: {  	_ =	shalt  }
0x75: {  	_ =	shalt  }
0x76: {  	_ =	shalt  }
0x77: {  	_ =	shalt  }
0x78: {  	_ =	shalt  }
0x79: {  	_ =	shalt  }
0x7a: {  	_ =	shalt  }
0x7b: {  	_ =	shalt  }
0x7c: {  	_ =	shalt  }
0x7d: {  	_ =	shalt  }
0x7e: {  	_ =	shalt  }
0x7f: {  	_ =	shalt  }
0x80: {  	_ =	shalt  }
0x81: {  	_ =	shalt  }
0x82: {  	_ =	shalt  }
0x83: {  	_ =	shalt  }
0x84: {  	_ =	shalt  }
0x85: {  	_ =	shalt  }
0x86: {  	_ =	shalt  }
0x87: {  	_ =	shalt  }
.Lfunc_end0:
.L_simem_size_0:
called_computation.1_lowered:
.L_overlay_start_0:
0x88: {  	s2 =	sld [smem:$0x3FD9]  }
0x89: {  	s3 =	sld [smem:$0x3FFE];
	_ =	sdelay $0x1  }
0x8a: {  	s1 =	srdreg.scid  }
0x8b: {  	s0 =	sand.u32 $0x1, s1  }
0x8c: {  	s17 =	sshll.u32 s0, $0xA;
	s2 =	sadd.s32 s3, s2  }
0x8d: {  	s2 =	sadd.s32 s2, s17  }
0x8e: {  	[smem:$0x3FC6] =	sst s2  }
0x8f: {  	_ = 	snop  }
0x90: {  	s2 =	sld [smem:$0x3FD0];
	(tm) =	ssettm $0x1  }
0x91: {  	s18 =	sld [smem:$0x3FFB];
	_ =	sdelay $0x3  }
0x92: {  	_ =	strace s18  }
0x93: {  	s3 =	sld [smem:$0x3FFC];
	_ =	sdelay $0x3  }
0x94: {  	_ =	strace s3  }
0x95: {  	s3 =	sld [smem:$0x3FFD];
	_ =	sdelay $0x3  }
0x96: {  	_ =	strace s3  }
0x97: {  	_ =	strace $0x8FFFFFFF  }
0x98: {  	s19 =	sld [smem:$0x3FDB];
	_ =	sdelay $0x1  }
0x99: {  	s4 =	simm.s32 $_scs_section_size  }
0x9a: {  	s5 =	simm.s32 $_size__tile_overlayer_lowered;
	s6 =	simm.s32 $_tile_overlayer_lowered  }
0x9b: {  	s22 =	simm.s32 $0x1BFF;
	s21 =	sshll.u32 s6, $0x1;
	s3 =	sadd.s32 s4, s19  }
0x9c: {  	s7 =	simm.s32 $0x0;
	s20 =	sshll.u32 s5, $0x1;
	s5 =	sadd.s32 s21, s3  }
0x9d: {  	[timem:s7], [sflag:s22] =	dma.local [hbm:s5], s20  }
0x9e: {  	_ =	swait.ge [sflag:s22], s20  }
0x9f: {  	s4 =	ssub.s32 $0x0, s20;
	[sflag:s22] =	ssyncset.done $0x0  }
0xa0: {  	[sflag:s22] =	ssyncadd.s32 s4;
	_ =	sdelay $0x1  }
0xa1: {  	s23 =	simm.s32 $0x1B8B  }
0xa2: {  	_ =	swait.ge [sflag:s23], $0x1  }
0xa3: {  	[sflag:s23] =	ssyncset.done $0x0  }
0xa4: {  	s25 =	simm.s32 $0x1B8E;
	s24 =	sld [smem:$0x3FFE];
	[sflag:s23] =	ssyncadd.s32 $0xFFFFFFFF  }
0xa5: {  	s26 =	simm.s32 $execute0_lowered;
	[smem:$0x3FD2] =	sst s25  }
0xa6: {  	s5 =	sshll.u32 s26, $0x1;
	_ =	strace $0x80000046;
	[dreg:$0x1] =	wrdreg $0xFFFFFFFF  }
0xa7: {  	s28 =	simm.s32 $_size_execute0_lowered;
	s3 =	sadd.s32 s3, s5;
	[dreg:$0x0] =	wrdreg $0x0  }
0xa8: {  	s5 =	sshll.u32 s28, $0x1;
	[dreg:$0x2] =	wrdreg s3  }
0xa9: {  	[dreg:$0x3] =	wrdreg s5  }
0xaa: {  	[dreg:$0x4] =	wrdreg $0xC0  }
0xab: {  	_ =	task [dreg:s7], $0x5FFFF  }
0xac: {  	[dreg:$0x1] =	wrdreg $0xFFFFFFFF  }
0xad: {  	[dreg:$0x0] =	wrdreg $0x60  }
0xae: {  	[dreg:$0x2] =	wrdreg s24  }
0xaf: {  	[dreg:$0x3] =	wrdreg s2  }
0xb0: {  	[dreg:$0x4] =	wrdreg $0x9  }
0xb1: {  	_ =	task.clear_ibuf [dreg:s7], $0x5FFFF;
	_ =	strace $0x90000046  }
0xb2: {  	s29 =	simm.s32 $0x9;
	_ =	strace $0x80000048  }
0xb3: {  	_ =	swait.ge [sflag:s29], $0x1  }
0xb4: {  	[sflag:s29] =	ssyncadd.s32 $0xFFFFFFFF  }
0xb5: {  	_ =	strace $0x90000048  }
0xb6: {  	_ =	sfence  }
0xb7: {  	s30 =	sld [smem:$0x0];
	_ =	sdelay $0x2  }
0xb8: {  	s31 =	sshll.u32 s1, $0xD;
	s1 =	sshrl.u32 s1, $0x2  }
0xb9: {  	s3 =	sand.u32 $0x4000, s31;
	s1 =	sadd.s32 s1, s30  }
0xba: {  	s0 =	sor.u32 s3, s0;
	s1 =	sshll.u32 s1, $0x11  }
0xbb: {  	s0 =	sor.u32 s1, s0  }
0xbc: {  	s0 =	sadd.s32 $0x8F2B, s0  }
0xbd: {  	[sflag:s0] =	ssyncadd.remote.s32 $0x1  }
0xbe: {  	_ =	sfence.sel $0xFFFF  }
0xbf: {  	[dreg:$0x0] =	wrdreg $0xFFFFFFFF;
	(pc) =	sbr.abs _section_cstart, $3  }
0xc0: {  	[dreg:$0x1] =	wrdreg $0xFFFFFFFF  }
0xc1: {  	_ =	task.clear_ibuf [dreg:s7], $0x2FFFF;
	_ =	strace $0x9FFFFFFF  }
0xc2: {  	(tm) =	ssettm $0x7FFFFFFF  }
0xc3: {  	_ =	shalt  }
tec
execute0_lowered:
.L_overlay_start_1:
0x0: {  	(tag) =	ssettag $0x1  }
0x1: {  	s0 =	rddreg [dreg:$0x0];
	s1 =	srdreg.scid  }
0x2: {  	s10 =	stileid.u32;
	s5 =	rddreg [dreg:$0x1]  }
0x3: {  	s2 =	simm.s32 $0x0;
	s28 =	simm.s32 $0x80;
	s31 =	simm.s32 $0xE00  }
0x4: {  	s11 =	simm.s32 $0x8;
	s1 =	sand.u32 $0x1, s1;
	s18 =	smul.u32 $0x190, s10  }
0x5: {  	s3 =	sshll.u32 s10, $0x1;
	[smem:$0x7FF] =	sst s2;
	s23 =	smul.u32 $0xC8000, s10  }
0x6: {  	s7 =	sadd.s32 $0x800, s0;
	s10 =	simm.s32 $0xE;
	s9 =	smul.u32 $0xC8, s1  }
0x7: {  	s6 =	sor.u32 s1, s3;
	s8 =	ssub.s32 $0x2, s1;
	s1 =	smul.u32 $0x64000, s1  }
0x8: {  	_ =	strace $0x80000047;
	s4 =	smul.u32 $0x3200, s6;
	s12 =	sshrl.u32 s8, $0x1  }
0x9: {  	s3 =	sadd.s32 $0xFA6C00, s0;
	s6 =	smul.u32 $0x320000, s6;
	s0 =	ssub.s32 s8, s12  }
0xa: {  	s8 =	sadd.s32 s9, s18;
	s9 =	simm.s32 $0xD;
	s4 =	sadd.s32 s7, s4  }
0xb: {  	s12 =	simm.s32 $0x9;
	s0 =	smax.u32 s0, $0x1;
	[dreg:$0x3] =	wrdreg s4  }
0xc: {  	s6 =	sshrl.u32 s6, $0x3;
	s13 =	sadd.s32 $0x40, s4;
	[dreg:$0x10] =	wrdreg s0  }
0xd: {  	s8 =	sshll.u32 s8, $0x6;
	s14 =	sadd.s32 $0x80, s4;
	[dreg:$0x4] =	wrdreg s13  }
0xe: {  	s15 =	sadd.s32 $0xC0, s4;
	s16 =	sadd.s32 $0x100, s4;
	[dreg:$0x5] =	wrdreg s14  }
0xf: {  	s17 =	sadd.s32 $0x140, s4;
	s4 =	sadd.s32 $0x180, s4;
	[dreg:$0x6] =	wrdreg s15  }
0x10: {  	s6 =	sadd.s32 s5, s6;
	s26 =	sadd.s32 s8, s7;
	[dreg:$0x7] =	wrdreg s16  }
0x11: {  	s5 =	sadd.s32 s23, s5;
	s7 =	simm.s32 $0x6;
	[dreg:$0x8] =	wrdreg s17  }
0x12: {  	s23 =	simm.s32 $0x15;
	[dreg:$0x9] =	wrdreg s4;
	s19 =	sadd.s32 $0x61000, s6  }
0x13: {  	s20 =	sadd.s32 $0x61800, s6;
	s21 =	sadd.s32 $0x62000, s6;
	[dreg:$0xa] =	wrdreg s19  }
0x14: {  	s22 =	sadd.s32 $0x62800, s6;
	s24 =	sadd.s32 $0x63000, s6;
	[dreg:$0xb] =	wrdreg s20  }
0x15: {  	s25 =	sadd.s32 $0x63800, s6;
	s29 =	sadd.s32 $0x1C0, s26;
	[dreg:$0xc] =	wrdreg s21  }
0x16: {  	s30 =	sadd.s32 s1, s5;
	s1 =	simm.s32 $0x3;
	[dreg:$0xd] =	wrdreg s22  }
0x17: {  	s6 =	simm.s32 $0x5;
	s13 =	simm.s32 $0xA;
	[dreg:$0xe] =	wrdreg s24  }
0x18: {  	s14 =	simm.s32 $0xB;
	s15 =	simm.s32 $0xF;
	[dreg:$0xf] =	wrdreg s25  }
0x19: {  	s16 =	simm.s32 $0x10;
	s17 =	simm.s32 $0x13;
	[dreg:$0x11] =	wrdreg s29  }
0x1a: {  	[dreg:$0x12] =	wrdreg s30;
	s25 =	simm.s32 $0x4;
	s20 =	simm.s32 $0x11  }
0x1b: {  	s21 =	simm.s32 $0x12;
	s22 =	simm.s32 $0x14;
	s24 =	simm.s32 $0x0  }
.LBB2_1:
0x1c: {  	s0 =	rddreg [dreg:$0x3]  }
0x1d: {  	[tilespmem:s2], [sflag:$0x1] =	stream.linear.gather [hbm4b:s0+s2], $0x200, $0x38;
	[tilespmem:$0x1CE00] =	vst v63  }
0x1e: {  	s5 =	rddreg [dreg:$0x4];
	s4 =	simm.s32 $0x200  }
0x1f: {  	[tilespmem:s4], [sflag:$0x2] =	stream.linear.gather [hbm4b:s5+s2], $0x200, $0x38;
	[tilespmem:$0x1CE00] =	vst v63  }
0x20: {  	s8 =	rddreg [dreg:$0x5];
	s5 =	simm.s32 $0x400  }
0x21: {  	[tilespmem:s5], [sflag:$0x3] =	stream.linear.gather [hbm4b:s8+s2], $0x200, $0x38;
	[tilespmem:$0x1CE00] =	vst v63  }
0x22: {  	s18 =	rddreg [dreg:$0x6];
	s8 =	simm.s32 $0x600  }
0x23: {  	[tilespmem:s8], [sflag:$0x4] =	stream.linear.gather [hbm4b:s18+s2], $0x200, $0x38;
	[tilespmem:$0x1CE00] =	vst v63  }
0x24: {  	s19 =	rddreg [dreg:$0x7];
	s18 =	simm.s32 $0x800  }
0x25: {  	[tilespmem:s18], [sflag:$0x5] =	stream.linear.gather [hbm4b:s19+s2], $0x200, $0x38;
	[tilespmem:$0x1CE00] =	vst v63  }
0x26: {  	s0 =	rddreg [dreg:$0x8];
	s19 =	simm.s32 $0xA00  }
0x27: {  	[tilespmem:s19], [sflag:$0x6] =	stream.linear.gather [hbm4b:s0+s2], $0x200, $0x38;
	[tilespmem:$0x1CE00] =	vst v63  }
0x28: {  	s29 =	simm.s32 $0xC00;
	s0 =	rddreg [dreg:$0x9]  }
0x29: {  	[tilespmem:s29], [sflag:$0x7] =	stream.linear.gather [hbm4b:s0+s2], $0x200, $0x38;
	[tilespmem:$0x1CE00] =	vst v63  }
0x2a: {  	s0 =	simm.s32 $0x1  }
0x2b: {  	_ =	swait.ge [sflag:s0], $0x200  }
0x2c: {  	[sflag:s0] =	ssyncset.done $0x0  }
0x2d: {  	[sflag:s0] =	ssyncadd.s32 $0xFFFFFE00  }
0x2e: {  	[tilespmem:s31], [sflag:$0x8] =	stream.indirect.gather [hbm4b:s3+s28], $0x20, s2, s28, $0xb8;
	[tilespmem:$0x1CE00] =	vst v63  }
0x2f: {  	s31 =	simm.s32 $0x1E00  }
0x30: {  	[tilespmem:s31], [sflag:$0x8] =	stream.indirect.gather [hbm4b:s3+s28], $0x20, s28, s28, $0xb8;
	[tilespmem:$0x1CE00] =	vst v63  }
0x31: {  	s29 =	simm.s32 $0x2E00;
	s31 =	simm.s32 $0x100  }
0x32: {  	[tilespmem:s29], [sflag:$0x8] =	stream.indirect.gather [hbm4b:s3+s28], $0x20, s31, s28, $0xb8;
	[tilespmem:$0x1CE00] =	vst v63  }
0x33: {  	s31 =	simm.s32 $0x180;
	s29 =	simm.s32 $0x3E00  }
0x34: {  	[tilespmem:s29], [sflag:$0x8] =	stream.indirect.gather [hbm4b:s3+s28], $0x20, s31, s28, $0xb8;
	[tilespmem:$0x1CE00] =	vst v63  }
0x35: {  	s31 =	simm.s32 $0x2  }
0x36: {  	_ =	swait.ge [sflag:s31], $0x200  }
0x37: {  	[sflag:s31] =	ssyncset.done $0x0  }
0x38: {  	s26 =	simm.s32 $0x4E00;
	[sflag:s31] =	ssyncadd.s32 $0xFFFFFE00  }
0x39: {  	[tilespmem:s26], [sflag:$0x9] =	stream.indirect.gather [hbm4b:s3+s28], $0x20, s4, s28, $0xb8;
	[tilespmem:$0x1CE00] =	vst v63  }
0x3a: {  	s31 =	simm.s32 $0x5E00;
	s4 =	simm.s32 $0x280  }
0x3b: {  	[tilespmem:s31], [sflag:$0x9] =	stream.indirect.gather [hbm4b:s3+s28], $0x20, s4, s28, $0xb8;
	[tilespmem:$0x1CE00] =	vst v63  }
0x3c: {  	s4 =	simm.s32 $0x300;
	s31 =	simm.s32 $0x6E00  }
0x3d: {  	[tilespmem:s31], [sflag:$0x9] =	stream.indirect.gather [hbm4b:s3+s28], $0x20, s4, s28, $0xb8;
	[tilespmem:$0x1CE00] =	vst v63  }
0x3e: {  	s4 =	simm.s32 $0x380;
	s31 =	simm.s32 $0x7E00  }
0x3f: {  	[tilespmem:s31], [sflag:$0x9] =	stream.indirect.gather [hbm4b:s3+s28], $0x20, s4, s28, $0xb8;
	[tilespmem:$0x1CE00] =	vst v63  }
0x40: {  	_ =	swait.ge [sflag:s1], $0x200  }
0x41: {  	[sflag:s1] =	ssyncset.done $0x0  }
0x42: {  	s26 =	simm.s32 $0x8E00;
	[sflag:s1] =	ssyncadd.s32 $0xFFFFFE00  }
0x43: {  	[tilespmem:s26], [sflag:$0xA] =	stream.indirect.gather [hbm4b:s3+s28], $0x20, s5, s28, $0xb8;
	[tilespmem:$0x1CE00] =	vst v63  }
0x44: {  	s31 =	simm.s32 $0x9E00;
	s5 =	simm.s32 $0x480  }
0x45: {  	[tilespmem:s31], [sflag:$0xA] =	stream.indirect.gather [hbm4b:s3+s28], $0x20, s5, s28, $0xb8;
	[tilespmem:$0x1CE00] =	vst v63  }
0x46: {  	s5 =	simm.s32 $0x500;
	s31 =	simm.s32 $0xAE00  }
0x47: {  	[tilespmem:s31], [sflag:$0xA] =	stream.indirect.gather [hbm4b:s3+s28], $0x20, s5, s28, $0xb8;
	[tilespmem:$0x1CE00] =	vst v63  }
0x48: {  	s5 =	simm.s32 $0x580;
	s31 =	simm.s32 $0xBE00  }
0x49: {  	[tilespmem:s31], [sflag:$0xA] =	stream.indirect.gather [hbm4b:s3+s28], $0x20, s5, s28, $0xb8;
	[tilespmem:$0x1CE00] =	vst v63  }
0x4a: {  	_ =	swait.ge [sflag:s25], $0x200  }
0x4b: {  	[sflag:s25] =	ssyncset.done $0x0  }
0x4c: {  	s30 =	simm.s32 $0xCE00;
	[sflag:s25] =	ssyncadd.s32 $0xFFFFFE00  }
0x4d: {  	[tilespmem:s30], [sflag:$0xB] =	stream.indirect.gather [hbm4b:s3+s28], $0x20, s8, s28, $0xb8;
	[tilespmem:$0x1CE00] =	vst v63  }
0x4e: {  	s4 =	simm.s32 $0x680;
	s5 =	simm.s32 $0xDE00  }
0x4f: {  	[tilespmem:s5], [sflag:$0xB] =	stream.indirect.gather [hbm4b:s3+s28], $0x20, s4, s28, $0xb8;
	[tilespmem:$0x1CE00] =	vst v63  }
0x50: {  	s31 =	simm.s32 $0xEE00;
	s8 =	simm.s32 $0x700  }
0x51: {  	[tilespmem:s31], [sflag:$0xB] =	stream.indirect.gather [hbm4b:s3+s28], $0x20, s8, s28, $0xb8;
	[tilespmem:$0x1CE00] =	vst v63  }
0x52: {  	s4 =	simm.s32 $0x780;
	s5 =	simm.s32 $0xFE00  }
0x53: {  	[tilespmem:s5], [sflag:$0xB] =	stream.indirect.gather [hbm4b:s3+s28], $0x20, s4, s28, $0xb8;
	[tilespmem:$0x1CE00] =	vst v63  }
0x54: {  	_ =	swait.ge [sflag:s6], $0x200  }
0x55: {  	[sflag:s6] =	ssyncset.done $0x0  }
0x56: {  	s8 =	simm.s32 $0x10E00;
	[sflag:s6] =	ssyncadd.s32 $0xFFFFFE00  }
0x57: {  	[tilespmem:s8], [sflag:$0xC] =	stream.indirect.gather [hbm4b:s3+s28], $0x20, s18, s28, $0xb8;
	[tilespmem:$0x1CE00] =	vst v63  }
0x58: {  	s31 =	simm.s32 $0x11E00;
	s18 =	simm.s32 $0x880  }
0x59: {  	[tilespmem:s31], [sflag:$0xC] =	stream.indirect.gather [hbm4b:s3+s28], $0x20, s18, s28, $0xb8;
	[tilespmem:$0x1CE00] =	vst v63  }
0x5a: {  	s5 =	simm.s32 $0x900;
	s8 =	simm.s32 $0x12E00  }
0x5b: {  	[tilespmem:s8], [sflag:$0xC] =	stream.indirect.gather [hbm4b:s3+s28], $0x20, s5, s28, $0xb8;
	[tilespmem:$0x1CE00] =	vst v63  }
0x5c: {  	s18 =	simm.s32 $0x980;
	s31 =	simm.s32 $0x13E00  }
0x5d: {  	[tilespmem:s31], [sflag:$0xC] =	stream.indirect.gather [hbm4b:s3+s28], $0x20, s18, s28, $0xb8;
	[tilespmem:$0x1CE00] =	vst v63  }
0x5e: {  	_ =	swait.ge [sflag:s7], $0x200  }
0x5f: {  	[sflag:s7] =	ssyncset.done $0x0  }
0x60: {  	s30 =	simm.s32 $0x14E00;
	[sflag:s7] =	ssyncadd.s32 $0xFFFFFE00  }
0x61: {  	[tilespmem:s30], [sflag:$0xD] =	stream.indirect.gather [hbm4b:s3+s28], $0x20, s19, s28, $0xb8;
	[tilespmem:$0x1CE00] =	vst v63  }
0x62: {  	s4 =	simm.s32 $0xA80;
	s5 =	simm.s32 $0x15E00  }
0x63: {  	[tilespmem:s5], [sflag:$0xD] =	stream.indirect.gather [hbm4b:s3+s28], $0x20, s4, s28, $0xb8;
	[tilespmem:$0x1CE00] =	vst v63  }
0x64: {  	s8 =	simm.s32 $0xB00;
	s18 =	simm.s32 $0x16E00  }
0x65: {  	[tilespmem:s18], [sflag:$0xD] =	stream.indirect.gather [hbm4b:s3+s28], $0x20, s8, s28, $0xb8;
	[tilespmem:$0x1CE00] =	vst v63  }
0x66: {  	s31 =	simm.s32 $0x17E00;
	s29 =	rddreg [dreg:$0x11];
	s19 =	simm.s32 $0xB80  }
0x67: {  	[tilespmem:s31], [sflag:$0xD] =	stream.indirect.gather [hbm4b:s3+s28], $0x20, s19, s28, $0xb8;
	[tilespmem:$0x1CE00] =	vst v63  }
0x68: {  	s18 =	simm.s32 $0x7;
	s19 =	rddreg [dreg:$0x12]  }
.LBB2_2:
0x69: {  	s31 =	sadd.s32 $0xFFFFFFFF, s18  }
0x6a: {  	s4 =	smul.u32 $0x25, s31;
	_ =	sdelay $0x1  }
0x6b: {  	s4 =	sshrl.u32 s4, $0x8  }
0x6c: {  	s0 =	ssub.s32 s31, s4  }
0x6d: {  	s0 =	sand.u32 $0xFE, s0  }
0x6e: {  	s0 =	sshrl.u32 s0, $0x1  }
0x6f: {  	s0 =	sadd.s32 s4, s0  }
0x70: {  	s0 =	sand.u32 $0xFC, s0  }
0x71: {  	s0 =	sshrl.u32 s0, $0x2  }
0x72: {  	s0 =	smul.u32 $0x7, s0;
	_ =	sdelay $0x1  }
0x73: {  	s0 =	ssub.s32 s31, s0  }
0x74: {  	p0 =	slt.u32 s31, $0x7;
	s0 =	sand.u32 $0xFF, s0  }
0x75: {  	s4 =	sadd.s32 @!p0 $0xF, s0  }
0x76: {  	_ =	swait.ge @!p0 [sflag:s4], $0x4000  }
0x77: {  	[sflag:s4] =	ssyncset.done @!p0 $0x0  }
0x78: {  	s5 =	sadd.s32 $0x1, s0;
	[sflag:s4] =	ssyncadd.s32 @!p0 $0xFFFFC000  }
0x79: {  	s4 =	sshll.u32 s0, $0xE;
	_ =	swait.ge [sflag:s5], $0x200  }
0x7a: {  	s8 =	sor.u32 $0xE00, s4;
	[sflag:s5] =	ssyncset.done $0x0  }
0x7b: {  	[sflag:s5] =	ssyncadd.s32 $0xFFFFFE00;
	s5 =	sshll.u32 s0, $0x9;
	s0 =	sadd.s32 $0x8, s0  }
0x7c: {  	[tilespmem:s8], [sflag:s0] =	stream.indirect.gather [hbm4b:s3+s28], $0x20, s5, s28, $0xb8;
	[tilespmem:$0x1CE00] =	vst v63  }
0x7d: {  	s31 =	sor.u32 $0x1E00, s4;
	s8 =	sor.u32 $0x80, s5  }
0x7e: {  	[tilespmem:s31], [sflag:s0] =	stream.indirect.gather [hbm4b:s3+s28], $0x20, s8, s28, $0xb8;
	[tilespmem:$0x1CE00] =	vst v63  }
0x7f: {  	s8 =	sor.u32 $0x2E00, s4;
	s31 =	sor.u32 $0x100, s5  }
0x80: {  	[tilespmem:s8], [sflag:s0] =	stream.indirect.gather [hbm4b:s3+s28], $0x20, s31, s28, $0xb8;
	[tilespmem:$0x1CE00] =	vst v63  }
0x81: {  	s8 =	sadd.s32 $0xFFFFFFF9, s18  }
0x82: {  	s4 =	sor.u32 $0x3E00, s4;
	s5 =	sor.u32 $0x180, s5;
	s31 =	smul.u32 $0x4925, s8  }
0x83: {  	[tilespmem:s4], [sflag:s0] =	stream.indirect.gather [hbm4b:s3+s28], $0x20, s5, s28, $0xb8;
	[tilespmem:$0x1CE00] =	vst v63  }
0x84: {  	s4 =	sshrl.u32 s31, $0x1F;
	s5 =	sshra.s32 s31, $0x11  }
0x85: {  	s0 =	sadd.s32 s4, s5  }
0x86: {  	s0 =	smul.u32 $0x7, s0  }
0x87: {  	p0 =	seq.s32 s18, $0xC8  }
0x88: {  	s4 =	sand.u32 @!p0 $0xFF, s18;
	s0 =	ssub.s32 s8, s0  }
0x89: {  	s4 =	smul.u32 @!p0 $0x25, s4;
	s0 =	sshll.u32 s0, $0x10  }
0x8a: {  	s0 =	sshra.s32 s0, $0x10  }
0x8b: {  	s4 =	sshrl.u32 @!p0 s4, $0x8;
	p1 =	slt.s32 s0, $0x0;
	s5 =	sadd.s32 $0x7, s0  }
0x8c: {  	s0 =	smov.u32 @p1 s5;
	s5 =	ssub.s32 @!p0 s18, s4  }
0x8d: {  	s5 =	sand.u32 @!p0 $0xFE, s5  }
0x8e: {  	s8 =	sadd.s32 $0x8, s0;
	s31 =	sshll.u32 s0, $0x10;
	s5 =	sshrl.u32 @!p0 s5, $0x1  }
0x8f: {  	s0 =	sadd.s32 $0xF, s0;
	_ =	swait.ge [sflag:s8], $0x4000;
	s4 =	sadd.s32 @!p0 s4, s5  }
0x90: {  	s31 =	sshra.s32 s31, $0x2;
	[sflag:s8] =	ssyncset.done $0x0;
	s4 =	sshrl.u32 @!p0 s4, $0x2  }
0x91: {  	s5 =	sor.u32 $0xE00, s31;
	[sflag:s8] =	ssyncadd.s32 $0xFFFFC000;
	s4 =	smul.u32 @!p0 $0x7, s4  }
0x92: {  	[hbm4b:s19+s2] =	stream.linear.scatter [tilespmem:s5], [sflag:s0], $0x4000, $0x38;
	[tilespmem:$0x1CE00] =	vst v63  }
0x93: {  	s0 =	ssub.s32 @!p0 s18, s4;
	s18 =	sadd.s32 @!p0 $0x1, s18  }
0x94: {  	p1 =	sne.s32 @!p0 s18, $0xC9  }
0x95: {  	p1 =	por p0, !p1  }
.Ltmp0:
0x96: {  	_ = 	snop;
	(pc) =	sbr.rel @!p1 .LBB2_2-.Ltmp0, $4  }
0x97: {  	s0 =	sand.u32 @!p0 $0xFF, s0  }
0x98: {  	s5 =	simm.s32 @!p0 $0x0;
	s4 =	sshll.u32 @!p0 s0, $0x9;
	s0 =	sadd.s32 @!p0 $0x1, s0  }
0x99: {  	[tilespmem:s4], [sflag:s0] =	stream.linear.gather @!p0 [hbm4b:s29+s5], $0x200, $0x38;
	[tilespmem:$0x1CE00] =	vst v63  }
0x9a: {  	s19 =	sadd.s32 @!p0 $0x800, s19;
	s29 =	sadd.s32 @!p0 $0x40, s29  }
0x9b: {  	_ =	swait.ge [sflag:s9], $0x4000  }
0x9c: {  	[sflag:s9] =	ssyncset.done $0x0  }
0x9d: {  	s0 =	rddreg [dreg:$0xa];
	[sflag:s9] =	ssyncadd.s32 $0xFFFFC000  }
0x9e: {  	[hbm4b:s0+s2] =	stream.linear.scatter [tilespmem:s30], [sflag:$0x14], $0x4000, $0x38;
	[tilespmem:$0x1CE00] =	vst v63  }
0x9f: {  	_ =	swait.ge [sflag:s10], $0x4000  }
0xa0: {  	[sflag:s10] =	ssyncset.done $0x0  }
0xa1: {  	s4 =	simm.s32 $0x18E00;
	s30 =	rddreg [dreg:$0xb];
	[sflag:s10] =	ssyncadd.s32 $0xFFFFC000  }
0xa2: {  	[hbm4b:s30+s2] =	stream.linear.scatter [tilespmem:s4], [sflag:$0x15], $0x4000, $0x38;
	[tilespmem:$0x1CE00] =	vst v63  }
0xa3: {  	_ =	swait.ge [sflag:s11], $0x4000  }
0xa4: {  	[sflag:s11] =	ssyncset.done $0x0  }
0xa5: {  	s31 =	simm.s32 $0xE00;
	s5 =	rddreg [dreg:$0xc];
	[sflag:s11] =	ssyncadd.s32 $0xFFFFC000  }
0xa6: {  	[hbm4b:s5+s2] =	stream.linear.scatter [tilespmem:s31], [sflag:$0xF], $0x4000, $0x38;
	[tilespmem:$0x1CE00] =	vst v63  }
0xa7: {  	_ =	swait.ge [sflag:s12], $0x4000  }
0xa8: {  	[sflag:s12] =	ssyncset.done $0x0  }
0xa9: {  	s18 =	simm.s32 $0x4E00;
	s8 =	rddreg [dreg:$0xd];
	[sflag:s12] =	ssyncadd.s32 $0xFFFFC000  }
0xaa: {  	[hbm4b:s8+s2] =	stream.linear.scatter [tilespmem:s18], [sflag:$0x10], $0x4000, $0x38;
	[tilespmem:$0x1CE00] =	vst v63  }
0xab: {  	_ =	swait.ge [sflag:s13], $0x4000  }
0xac: {  	[sflag:s13] =	ssyncset.done $0x0  }
0xad: {  	s19 =	rddreg [dreg:$0xe];
	[sflag:s13] =	ssyncadd.s32 $0xFFFFC000  }
0xae: {  	[hbm4b:s19+s2] =	stream.linear.scatter [tilespmem:s26], [sflag:$0x11], $0x4000, $0x38;
	[tilespmem:$0x1CE00] =	vst v63  }
0xaf: {  	_ =	swait.ge [sflag:s14], $0x4000  }
0xb0: {  	[sflag:s14] =	ssyncset.done $0x0  }
0xb1: {  	s29 =	simm.s32 $0xCE00;
	s26 =	rddreg [dreg:$0xf];
	[sflag:s14] =	ssyncadd.s32 $0xFFFFC000  }
0xb2: {  	[hbm4b:s26+s2] =	stream.linear.scatter [tilespmem:s29], [sflag:$0x12], $0x4000, $0x38;
	[tilespmem:$0x1CE00] =	vst v63  }
0xb3: {  	_ =	swait.ge [sflag:s15], $0x4000  }
0xb4: {  	[sflag:s15] =	ssyncset.done $0x0  }
0xb5: {  	[sflag:s15] =	ssyncadd.s32 $0xFFFFC000  }
0xb6: {  	_ =	swait.ge [sflag:s16], $0x4000  }
0xb7: {  	[sflag:s16] =	ssyncset.done $0x0  }
0xb8: {  	[sflag:s16] =	ssyncadd.s32 $0xFFFFC000  }
0xb9: {  	_ =	swait.ge [sflag:s20], $0x4000  }
0xba: {  	[sflag:s20] =	ssyncset.done $0x0  }
0xbb: {  	[sflag:s20] =	ssyncadd.s32 $0xFFFFC000  }
0xbc: {  	_ =	swait.ge [sflag:s21], $0x4000  }
0xbd: {  	[sflag:s21] =	ssyncset.done $0x0  }
0xbe: {  	[sflag:s21] =	ssyncadd.s32 $0xFFFFC000  }
0xbf: {  	_ =	swait.ge [sflag:s17], $0x4000  }
0xc0: {  	[sflag:s17] =	ssyncset.done $0x0  }
0xc1: {  	[sflag:s17] =	ssyncadd.s32 $0xFFFFC000  }
0xc2: {  	_ =	swait.ge [sflag:s22], $0x4000  }
0xc3: {  	[sflag:s22] =	ssyncset.done $0x0  }
0xc4: {  	[sflag:s22] =	ssyncadd.s32 $0xFFFFC000  }
0xc5: {  	_ =	swait.ge [sflag:s23], $0x4000  }
0xc6: {  	s24 =	sadd.s32 $0x1, s24;
	s30 =	rddreg [dreg:$0x10]  }
0xc7: {  	p0 =	sne.s32 s24, s30  }
.Ltmp1:
0xc8: {  	_ = 	snop;
	(pc) =	sbr.rel @p0 .LBB2_1-.Ltmp1, $3  }
0xc9: {  	_ =	sdelay $0x1  }
0xca: {  	[sflag:s23] =	ssyncset.done $0x0  }
0xcb: {  	[sflag:s23] =	ssyncadd.s32 $0xFFFFC000  }
0xcc: {  	_ =	sfence.sel $0x180000  }
0xcd: {  	[bflag:$0x0] =	sbarrier.arrive $0xFFFF  }
0xce: {  	_ =	strace $0x90000047  }
0xcf: {  	s0 =	stileid.u32;
	[bflag:$0x2] =	sbarrier.arrive $0xFFFF  }
0xd0: {  	p0 =	sne.s32 s0, $0x0;
	s0 =	rddreg [dreg:$0x2]  }
0xd1: {  	s0 =	sadd.s32 @!p0 $0x100000, s0  }
0xd2: {  	[sflag:s0] =	ssyncadd.tile.s32 @!p0 $0x1;
	_ =	shalt  }
.Lfunc_end2:
_tile_overlayer_lowered:
.L_overlay_start_2:
0xd3: {  	(tag) =	ssettag $0x2  }
0xd4: {  	s0 =	rddreg [dreg:$0x0];
	s2 =	stileid.u32  }
0xd5: {  	s1 =	rddreg [dreg:$0x1];
	p0 =	sne.s32 s2, $0x0  }
0xd6: {  	s3 =	rddreg [dreg:$0x2];
	[bflag:$0x3] =	sbarrier.arrive $0xFFFF;
	s2 =	simm.s32 @!p0 $0x1C16  }
0xd7: {  	[timem:s3], [sflag:s2] =	dma.local @!p0 [hbm:s0], s1  }
0xd8: {  	s0 =	simm.s32 @!p0 $0x16  }
0xd9: {  	_ =	swait.ge @!p0 [sflag:s0], s1  }
0xda: {  	s1 =	ssub.s32 @!p0 $0x0, s1;
	[sflag:s0] =	ssyncset.done @!p0 $0x0  }
0xdb: {  	[sflag:s0] =	ssyncadd.s32 @!p0 s1  }
0xdc: {  	[bflag:$0x3] =	sbarrier.arrive $0xFFFF  }
0xdd: {  	_ =	shalt  }

// kernel: sparse-core-data-format-call.cloned.1.call-start
scs
called_computation_lowered:
.L_overlay_start_0:
0x0: {  	s2 =	sld [smem:$0x3FD9]  }
0x1: {  	s3 =	sld [smem:$0x3FFE];
	_ =	sdelay $0x1  }
0x2: {  	s1 =	srdreg.scid  }
0x3: {  	s0 =	sand.u32 $0x1, s1  }
0x4: {  	s18 =	sshll.u32 s0, $0xA;
	s2 =	sadd.s32 s3, s2  }
0x5: {  	s2 =	sadd.s32 s2, s18  }
0x6: {  	[smem:$0x3FC6] =	sst s2  }
0x7: {  	_ = 	snop  }
0x8: {  	s2 =	sld [smem:$0x3FD0];
	(tm) =	ssettm $0x1  }
0x9: {  	s19 =	sld [smem:$0x3FFB];
	_ =	sdelay $0x3  }
0xa: {  	_ =	strace s19  }
0xb: {  	s3 =	sld [smem:$0x3FFC];
	_ =	sdelay $0x3  }
0xc: {  	_ =	strace s3  }
0xd: {  	s3 =	sld [smem:$0x3FFD];
	_ =	sdelay $0x3  }
0xe: {  	_ =	strace s3  }
0xf: {  	_ =	strace $0x8FFFFFFF  }
0x10: {  	s20 =	sld [smem:$0x3FDB];
	_ =	sdelay $0x1  }
0x11: {  	s4 =	simm.s32 $_scs_section_size  }
0x12: {  	s5 =	simm.s32 $_size__tile_overlayer_lowered;
	s6 =	simm.s32 $_tile_overlayer_lowered  }
0x13: {  	s23 =	simm.s32 $0x1BFF;
	s22 =	sshll.u32 s6, $0x1;
	s3 =	sadd.s32 s4, s20  }
0x14: {  	s7 =	simm.s32 $0x0;
	s21 =	sshll.u32 s5, $0x1;
	s5 =	sadd.s32 s22, s3  }
0x15: {  	[timem:s7], [sflag:s23] =	dma.local [hbm:s5], s21  }
0x16: {  	_ =	swait.ge [sflag:s23], s21  }
0x17: {  	s4 =	ssub.s32 $0x0, s21;
	[sflag:s23] =	ssyncset.done $0x0  }
0x18: {  	[sflag:s23] =	ssyncadd.s32 s4;
	_ =	sdelay $0x1  }
0x19: {  	s24 =	simm.s32 $0x1B8B  }
0x1a: {  	_ =	swait.ge [sflag:s24], $0x1  }
0x1b: {  	[sflag:s24] =	ssyncset.done $0x0  }
0x1c: {  	s26 =	simm.s32 $0x1B8E;
	s25 =	sld [smem:$0x3FFE];
	[sflag:s24] =	ssyncadd.s32 $0xFFFFFFFF  }
0x1d: {  	s27 =	simm.s32 $execute0_lowered;
	[smem:$0x3FD2] =	sst s26  }
0x1e: {  	s5 =	sshll.u32 s27, $0x1;
	_ =	strace $0x80000049;
	[dreg:$0x1] =	wrdreg $0xFFFFFFFF  }
0x1f: {  	s28 =	simm.s32 $_size_execute0_lowered;
	s3 =	sadd.s32 s3, s5;
	[dreg:$0x0] =	wrdreg $0x0  }
0x20: {  	s5 =	sshll.u32 s28, $0x1;
	[dreg:$0x2] =	wrdreg s3  }
0x21: {  	[dreg:$0x3] =	wrdreg s5  }
0x22: {  	[dreg:$0x4] =	wrdreg $0xC0  }
0x23: {  	_ =	task [dreg:s7], $0x5FFFF  }
0x24: {  	[dreg:$0x1] =	wrdreg $0xFFFFFFFF  }
0x25: {  	[dreg:$0x0] =	wrdreg $0x60  }
0x26: {  	[dreg:$0x2] =	wrdreg s25  }
0x27: {  	[dreg:$0x3] =	wrdreg s2  }
0x28: {  	[dreg:$0x4] =	wrdreg $0x9  }
0x29: {  	_ =	task.clear_ibuf [dreg:s7], $0x5FFFF;
	_ =	strace $0x90000049  }
0x2a: {  	s29 =	simm.s32 $0x9;
	_ =	strace $0x8000004B  }
0x2b: {  	_ =	swait.ge [sflag:s29], $0x1  }
0x2c: {  	[sflag:s29] =	ssyncadd.s32 $0xFFFFFFFF  }
0x2d: {  	_ =	strace $0x9000004B  }
0x2e: {  	_ =	sfence  }
0x2f: {  	s30 =	sld [smem:$0x0];
	_ =	sdelay $0x2  }
0x30: {  	s31 =	sshll.u32 s1, $0xD;
	s1 =	sshrl.u32 s1, $0x2  }
0x31: {  	s3 =	sand.u32 $0x4000, s31;
	s1 =	sadd.s32 s1, s30  }
0x32: {  	s0 =	sor.u32 s3, s0;
	s1 =	sshll.u32 s1, $0x11  }
0x33: {  	s0 =	sor.u32 s1, s0  }
0x34: {  	s0 =	sadd.s32 $0x8F2B, s0  }
0x35: {  	[sflag:s0] =	ssyncadd.remote.s32 $0x1  }
0x36: {  	_ =	sfence.sel $0xFFFF  }
0x37: {  	[dreg:$0x0] =	wrdreg $0xFFFFFFFF;
	(pc) =	sbr.abs _section_cstart, $3  }
0x38: {  	[dreg:$0x1] =	wrdreg $0xFFFFFFFF  }
0x39: {  	_ =	task.clear_ibuf [dreg:s7], $0x2FFFF;
	_ =	strace $0x9FFFFFFF  }
0x3a: {  	(tm) =	ssettm $0x7FFFFFFF  }
0x3b: {  	_ =	shalt  }
tec
execute0_lowered:
.L_overlay_start_1:
0x0: {  	(tag) =	ssettag $0x1  }
0x1: {  	s0 =	srdreg.scid  }
0x2: {  	s1 =	sshll.u32 s0, $0x4  }
0x3: {  	s0 =	stileid.u32;
	s1 =	sand.u32 $0x10, s1  }
0x4: {  	s1 =	sor.u32 s0, s1  }
0x5: {  	s6 =	rddreg [dreg:$0x0];
	s4 =	simm.s32 $0x1;
	s2 =	sshll.u32 s1, $0x7  }
0x6: {  	s7 =	simm.s32 $0x2;
	s12 =	simm.s32 $0x0;
	s1 =	ssub.s32 $0x4000, s2  }
0x7: {  	s8 =	simm.s32 $0x20000;
	s13 =	simm.s32 $0x0;
	s3 =	sand.u32 $0xF80, s1  }
0x8: {  	s9 =	simm.s32 $0x0;
	s5 =	sshrl.u32 s1, $0xC;
	p0 =	sne.s32 s3, $0x0  }
.Ltmp0:
0x9: {  	s1 =	rddreg [dreg:$0x2];
	s4 =	simm.s32 @!p0 $0x0;
	(pc) =	sbr.rel .LBB1_1-.Ltmp0, $4  }
0xa: {  	s11 =	simm.s32 $0x0;
	s3 =	rddreg [dreg:$0x1];
	s5 =	sadd.s32 s4, s5  }
0xb: {  	_ =	strace $0x8000004A;
	s4 =	simm.s32 $0x1;
	s5 =	smul.u32 $0xC8, s5  }
0xc: {  	s6 =	sadd.s32 $0x800, s6;
	s10 =	smov.u32 s2;
	[sflag:s4] =	ssyncpa.u1 $0x0  }
0xd: {  	p0 =	por $0x0, $0x0;
	[sflag:s7] =	ssyncpa.u1 $0x0;
	s7 =	sor.u32 $0x1, s5  }
.LBB1_4:
0xe: {  	s16 =	sshll.u32 s13, $0x3;
	s17 =	sand.u32 $0x78, s13  }
0xf: {  	s30 =	sand.u32 $0xF800, s13;
	s12 =	sshll.u32 s12, $0x10;
	s16 =	sand.u32 $0x3C00, s16  }
0x10: {  	s31 =	sand.u32 $0x7, s13;
	s16 =	sor.u32 s17, s16;
	s17 =	sadd.s32 s3, s30  }
0x11: {  	s13 =	sshll.u32 s31, $0x12;
	s16 =	sshrl.u32 s16, $0x3;
	s12 =	sadd.s32 s12, s17  }
0x12: {  	[tilespmem:s15+$0x0 ss:$0x81] =	vst.msk $0xffff, v0;
	s13 =	sor.u32 $0x400, s13;
	s12 =	sadd.s32 s16, s12  }
0x13: {  	[hbm4b:s12+s13] =	stream.strided.scatter [tilespmem:s14], [sflag:$0x2], $0x1000, s8, s13, $0x20;
	[tilespmem:$0x4040] =	vst v63  }
.LBB1_5:
0x14: {  	s14 =	sadd.s32 $0x1, s9  }
0x15: {  	s12 =	sadd.s32 $0x1000, s10;
	s16 =	smov.u32 s10;
	p2 =	sgt.s32 s14, $0xC7  }
0x16: {  	s16 =	smov.u32 @p2 s12  }
0x17: {  	s14 =	simm.s32 @p2 $0x0;
	p2 =	sgt.s32 s16, $0x3FFF  }
0x18: {  	s16 =	smov.u32 @p2 s2;
	p2 =	sne.s32 s11, s7  }
.Ltmp1:
0x19: {  	p1 =	slt.u32 s11, $0x2;
	(pc) =	sbr.rel @!p2 .LBB1_6-.Ltmp1, $4  }
0x1a: {  	s15 =	simm.s32 @!p1 $0x2  }
0x1b: {  	s13 =	smov.u32 s10;
	p0 =	por !p0, !p0;
	_ =	swait.ge @!p1 [sflag:s15], $0x1000  }
0x1c: {  	s12 =	smov.u32 s9;
	[sflag:s15] =	ssyncset.done @!p1 $0x0;
	s9 =	smov.u32 s14  }
0x1d: {  	s11 =	sadd.s32 $0x1, s11;
	[sflag:s15] =	ssyncadd.s32 @!p1 $0xFFFFF000;
	s10 =	smov.u32 s16  }
.LBB1_1:
0x1e: {  	p1 =	sge.u32 s11, s5  }
0x1f: {  	s14 =	sand.u32 @!p1 $0x1FFFFFF, s9  }
0x20: {  	s15 =	smulhi.u32 @!p1 $0x147AE15, s14;
	_ =	sdelay $0x1  }
0x21: {  	s15 =	smul.u32 @!p1 $0xC8, s15  }
0x22: {  	s16 =	sxor.u32 @!p1 $0xFFFFFFFF, s11;
	s17 =	smul.u32 @!p1 $0xC80, s10  }
0x23: {  	s31 =	sadd.s32 $0xFFFFFFFF, s11;
	s16 =	sshll.u32 @!p1 s16, $0xC;
	s14 =	ssub.s32 @!p1 s14, s15  }
0x24: {  	s15 =	sand.u32 @!p1 $0x1000, s16;
	s16 =	sadd.s32 @!p1 s6, s17;
	s14 =	sshll.u32 @!p1 s14, $0x4  }
0x25: {  	s17 =	simm.s32 @!p1 $0x6400;
	s14 =	sadd.s32 @!p1 s14, s16;
	s16 =	simm.s32 @!p1 $0x20  }
0x26: {  	[tilespmem:s15], [sflag:$0x1] =	stream.strided.gather @!p1 [hbm4b:s14+s16], $0x1000, s17, s16, $0x38;
	[tilespmem:$0x4040] =	vst v63  }
0x27: {  	p1 =	sge.u32 s31, s5  }
.Ltmp2:
0x28: {  	_ = 	snop;
	(pc) =	sbr.rel @p1 .LBB1_5-.Ltmp2, $1  }
0x29: {  	_ =	sdelay $0x3  }
0x2a: {  	s14 =	simm.s32 $0x1  }
0x2b: {  	_ =	swait.ge [sflag:s4], $0x1000;
	s14 =	simm.s32 @!p0 $0x0  }
0x2c: {  	[sflag:s4] =	ssyncset.done $0x0;
	s15 =	sshll.u32 s14, $0xC  }
0x2d: {  	[sflag:s4] =	ssyncadd.s32 $0xFFFFF000;
	s18 =	sor.u32 $0x10, s15  }
0x2e: {  	s14 =	smul.u32 $0x4080, s14;
	v1 =	vld [tilespmem:s18+$0x0]  }
0x2f: {  	s30 =	sand.u32 $0x1, s11;
	v0 =	vld [tilespmem:s18+$0xFFFFFFF0]  }
0x30: {  	s15 =	smul.u32 $0x4080, s30;
	s14 =	sshrl.u32 s14, $0x2  }
0x31: {  	s16 =	sor.u32 $0x2000, s14  }
0x32: {  	s31 =	sshrl.u32 s15, $0x2;
	s15 =	sadd.s32 $0x0, s16  }
0x33: {  	s17 =	simm.s32 $0x4;
	s18 =	sadd.s32 $0x20, s18;
	s14 =	sor.u32 $0x2000, s31;
	[tilespmem:s15+$0x810 ss:$0x81] =	vst.msk $0xffff, v1  }
.LBB1_3:
0x34: {  	v1 =	vld [tilespmem:s18+$0x0];
	p1 =	sne.s32 s17, $0x1FC;
	[tilespmem:s15+$0x0 ss:$0x81] =	vst.msk $0xffff, v0;
	s15 =	smov.u32 s17;
	s17 =	sadd.s32 $0x4, s17  }
.Ltmp3:
0x35: {  	v0 =	vld [tilespmem:s18+$0xFFFFFFF0];
	(pc) =	sbr.rel @p1 .LBB1_3-.Ltmp3, $4  }
0x36: {  	_ = 	snop  }
0x37: {  	s15 =	sshra.s32 s15, $0x2  }
0x38: {  	s15 =	sadd.s32 s15, s16  }
0x39: {  	s18 =	sadd.s32 $0x20, s18;
	[tilespmem:s15+$0x810 ss:$0x81] =	vst.msk $0xffff, v1  }
.Ltmp4:
0x3a: {  	_ = 	snop;
	(pc) =	sbr.rel .LBB1_4-.Ltmp4, $1  }
0x3b: {  	_ =	sdelay $0x3  }
.LBB1_6:
0x3c: {  	_ =	sfence.sel $0x180000  }
0x3d: {  	s2 =	simm.s32 $0x1;
	[bflag:$0x0] =	sbarrier.arrive $0xFFFF  }
0x3e: {  	s31 =	simm.s32 $0x2;
	[sflag:s2] =	ssyncpa.u1 $0x1  }
0x3f: {  	[sflag:s31] =	ssyncpa.u1 $0x1  }
0x40: {  	p0 =	sne.s32 s0, $0x0;
	_ =	strace $0x9000004A  }
0x41: {  	s0 =	sadd.s32 @!p0 $0x100000, s1;
	[bflag:$0x2] =	sbarrier.arrive $0xFFFF  }
0x42: {  	[sflag:s0] =	ssyncadd.tile.s32 @!p0 $0x1;
	_ =	shalt  }
.Lfunc_end1:
_tile_overlayer_lowered:
.L_overlay_start_2:
0x43: {  	(tag) =	ssettag $0x2  }
0x44: {  	s0 =	rddreg [dreg:$0x0];
	s2 =	stileid.u32  }
0x45: {  	s1 =	rddreg [dreg:$0x1];
	p0 =	sne.s32 s2, $0x0  }
0x46: {  	s3 =	rddreg [dreg:$0x2];
	[bflag:$0x3] =	sbarrier.arrive $0xFFFF;
	s2 =	simm.s32 @!p0 $0x1C01  }
0x47: {  	[timem:s3], [sflag:s2] =	dma.local @!p0 [hbm:s0], s1  }
0x48: {  	s0 =	simm.s32 @!p0 $0x1  }
0x49: {  	_ =	swait.ge @!p0 [sflag:s0], s1  }
0x4a: {  	s1 =	ssub.s32 @!p0 $0x0, s1;
	[sflag:s0] =	ssyncset.done @!p0 $0x0  }
0x4b: {  	[sflag:s0] =	ssyncadd.s32 @!p0 s1  }
0x4c: {  	[bflag:$0x3] =	sbarrier.arrive $0xFFFF  }
0x4d: {  	_ =	shalt  }

</sc_bundles>
